<compile_context>
chip_gen: v7x
topology: tpu7x:2x2x1
jax: 0.10.2.dev20260603
libtpu: 0.0.44.dev20260713+nightly
codegen_flags: <defaults>
</compile_context>

<pallas_src>
import functools

import jax
import jax.numpy as jnp
from jax import lax
from jax.experimental import pallas as pl
from jax.experimental.pallas import tpu as pltpu
from jax.experimental.pallas import tpu_sc as plsc

NC = 2
NS = 16
NW = NC * NS
K = 128
D = 128
AW = 144


def _sc_segment_sum(n_dst_pad, n_edges):
  assert n_dst_pad % NS == 0 and n_edges % K == 0
  rows_per_sub = n_dst_pad // NS
  total_chunks = n_edges // K
  q, r = divmod(total_chunks, NW)
  q1 = q + (1 if r else 0)

  mesh = plsc.VectorSubcoreMesh(
      core_axis_name="c", subcore_axis_name="s", num_cores=NC,
      num_subcores=NS)

  @functools.partial(
      pl.kernel,
      out_type=jax.ShapeDtypeStruct((NC, n_dst_pad, AW), jnp.float32),
      mesh=mesh,
      compiler_params=pltpu.CompilerParams(use_tc_tiling_on_sc=False),
      scratch_types=[
          pltpu.VMEM((q1, K), jnp.int32),
          pltpu.VMEM((q1, K), jnp.int32),
          pltpu.VMEM((K, AW), jnp.float32),
          pltpu.VMEM((K, AW), jnp.float32),
          pltpu.VMEM((K, AW), jnp.float32),
          pltpu.VMEM_SHARED((n_dst_pad, AW), jnp.float32),
          pltpu.SemaphoreType.DMA,
          pltpu.SemaphoreType.DMA,
          pltpu.SemaphoreType.DMA,
          pltpu.SemaphoreType.DMA,
          pltpu.SemaphoreType.DMA,
          pltpu.SemaphoreType.DMA,
      ],
  )
  def seg_sum(table_hbm, edges_hbm, zrow_hbm, acc_out,
              src_v, dst_v, rows0, rows1, rows2, acc_sh,
              g0, g1, g2, s0, s1, s2):
    cid = lax.axis_index("c")
    sid = lax.axis_index("s")
    wid = sid * NC + cid

    n_mine = q + jnp.where(wid < r, 1, 0)
    true_start = wid * q + jnp.minimum(wid, r)
    start = jnp.minimum(true_start, total_chunks - q1)
    j0 = true_start - start
    idx_cp0 = pltpu.async_copy(edges_hbm.at[0, pl.ds(start, q1)], src_v, g0)
    idx_cp1 = pltpu.async_copy(edges_hbm.at[1, pl.ds(start, q1)], dst_v, g1)

    r0 = sid * rows_per_sub
    pltpu.sync_copy(zrow_hbm.at[pl.ds(0, rows_per_sub)],
                    acc_sh.at[pl.ds(r0, rows_per_sub)])
    idx_cp0.wait()
    idx_cp1.wait()
    plsc.subcore_barrier()

    rows = (rows0, rows1, rows2)
    gsem = (g0, g1, g2)
    ssem = (s0, s1, s2)
    nb = 3

    def gather(c, p):
      pltpu.async_copy(table_hbm.at[src_v.at[j0 + c]], rows[p], gsem[p])

    def drain_gather(p):
      pltpu.make_async_copy(table_hbm.at[pl.ds(0, K)], rows[p],
                            gsem[p]).wait()

    def drain_scatter(p):
      pltpu.make_async_copy(rows[p], acc_sh.at[pl.ds(0, K)],
                            ssem[p]).wait()

    @pl.when(n_mine > 0)
    def _():
      gather(0, 0)
    @pl.when(n_mine > 1)
    def _():
      gather(1, 1)

    def slot(c, p):
      @pl.when(c < n_mine)
      def _():
        drain_gather(p)
        pltpu.async_copy(rows[p], acc_sh.at[dst_v.at[j0 + c]], ssem[p],
                         add=True)
      c2 = c + 2
      p2 = (p + 2) % nb
      @pl.when(c2 < n_mine)
      def _():
        @pl.when(c2 >= nb)
        def _():
          drain_scatter(p2)
        gather(c2, p2)

    def ring_body(j, _):
      c0 = nb * j
      for p in range(nb):
        slot(c0 + p, p)
      return 0

    lax.fori_loop(0, (q1 + nb - 1) // nb, ring_body, 0)
    for p in range(nb):
      @pl.when(jnp.minimum(n_mine, nb) > p)
      def _(p=p):
        drain_scatter(p)
    plsc.subcore_barrier()

    pltpu.sync_copy(acc_sh.at[pl.ds(r0, rows_per_sub)],
                    acc_out.at[cid, pl.ds(r0, rows_per_sub)])

  return seg_sum


def _tc_layer1(acc_ref, xt_ref, wl_ref, b_ref, wr_ref, w2l_ref,
               h_ref, g_ref):
  n = xt_ref.shape[0]
  a = (acc_ref[0] + acc_ref[1])[:n]
  cnt = a[:, D]
  mean = a[:, :D] / jnp.maximum(cnt, 1.0)[:, None]
  h = (jnp.dot(mean, wl_ref[...], preferred_element_type=jnp.float32)
       + b_ref[...][None, :]
       + jnp.dot(xt_ref[...], wr_ref[...], preferred_element_type=jnp.float32))
  h = jnp.maximum(h, 0.0)
  h_ref[...] = h
  g = jnp.dot(h, w2l_ref[...], preferred_element_type=jnp.float32)
  colid = lax.broadcasted_iota(jnp.int32, (n, AW - D), 1)
  aug = jnp.where(colid == 0, 1.0, 0.0)
  g_ref[...] = jnp.concatenate([g, aug], axis=1)


def _tc_layer2(acc_ref, ht_ref, wr_ref, b_ref, out_ref):
  n = out_ref.shape[0]
  a = (acc_ref[0] + acc_ref[1])[:n]
  cnt = a[:, D]
  mean = a[:, :D] / jnp.maximum(cnt, 1.0)[:, None]
  ht = ht_ref[...][:n]
  out_ref[...] = (mean + b_ref[...][None, :]
                  + jnp.dot(ht, wr_ref[...],
                            preferred_element_type=jnp.float32))


def kernel(x, edge_index1, edge_index2, n1, n2, W1_l, b1, W1_r, W2_l, b2,
           W2_r):
  N1, N2 = 5000, 2500
  N0 = x.shape[0]
  E1, E2 = edge_index1.shape[1], edge_index2.shape[1]
  n1_pad = ((N1 + 127) // 128) * 128
  n2_pad = ((N2 + 127) // 128) * 128
  d_hid = W1_l.shape[1]

  zrow = jnp.zeros((max(n1_pad, n2_pad) // NS, AW), jnp.float32)
  aug = jnp.concatenate(
      [jnp.ones((N0, 1), jnp.float32), jnp.zeros((N0, AW - D - 1), jnp.float32)],
      axis=1)
  x_aug = jnp.concatenate([x, aug], axis=1)

  e1 = edge_index1.reshape(2, E1 // K, K)
  e2 = edge_index2.reshape(2, E2 // K, K)

  acc1 = _sc_segment_sum(n1_pad, E1)(x_aug, e1, zrow)

  h, g_aug = pl.pallas_call(
      _tc_layer1,
      grid=(1,),
      in_specs=[
          pl.BlockSpec((2, n1_pad, AW), lambda i: (0, 0, 0)),
          pl.BlockSpec((N1, D), lambda i: (0, 0)),
          pl.BlockSpec((D, d_hid), lambda i: (0, 0)),
          pl.BlockSpec((d_hid,), lambda i: (0,)),
          pl.BlockSpec((D, d_hid), lambda i: (0, 0)),
          pl.BlockSpec((d_hid, D), lambda i: (0, 0)),
      ],
      out_specs=(
          pl.BlockSpec((N1, d_hid), lambda i: (0, 0)),
          pl.BlockSpec((N1, AW), lambda i: (0, 0)),
      ),
      out_shape=(
          jax.ShapeDtypeStruct((N1, d_hid), jnp.float32),
          jax.ShapeDtypeStruct((N1, AW), jnp.float32),
      ),
  )(acc1, x, W1_l, b1, W1_r, W2_l)

  acc2 = _sc_segment_sum(n2_pad, E2)(g_aug, e2, zrow[: n2_pad // NS])

  out = pl.pallas_call(
      _tc_layer2,
      grid=(1,),
      in_specs=[
          pl.BlockSpec((2, n2_pad, AW), lambda i: (0, 0, 0)),
          pl.BlockSpec((N1, d_hid), lambda i: (0, 0)),
          pl.BlockSpec((d_hid, D), lambda i: (0, 0)),
          pl.BlockSpec((D,), lambda i: (0,)),
      ],
      out_specs=pl.BlockSpec((N2, D), lambda i: (0, 0)),
      out_shape=jax.ShapeDtypeStruct((N2, D), jnp.float32),
  )(acc2, h, W2_r, b2)
  return out

# --- scband reference (transcript-rebuilt; emitter-appended) ---
"""Pipeline reference for scband-net-32066225832662 (READ-ONLY COPY).

The authoritative reference and input builder live on the scoring server;
editing this copy changes nothing except your own understanding.
"""

import jax, jax.numpy as jnp
import numpy as np


def _sage_layer(x_src, x_dst, edge_index, n_dst, W_l, b_l, W_r):
    # PyG SAGEConv (mean aggr, bipartite): out = lin_l(mean_j x_src[j]) + lin_r(x_dst)
    src = edge_index[0]
    dst = edge_index[1]
    msgs = jnp.take(x_src, src, axis=0)
    agg = jax.ops.segment_sum(msgs, dst, num_segments=n_dst)
    cnt = jax.ops.segment_sum(jnp.ones((dst.shape[0],), jnp.float32), dst, num_segments=n_dst)
    agg = agg / jnp.maximum(cnt, 1.0)[:, None]
    return agg @ W_l + b_l + x_dst @ W_r


def setup_inputs(seed: int = 0) -> dict:
    key = jax.random.key(seed)
    ks = jax.random.split(key, 12)
    N0, N1, N2 = 10000, 5000, 2500
    E1, E2 = 320000, 160000
    d_in, d_hid, d_out = 128, 260, 128
    x = jax.random.normal(ks[0], (N0, d_in), jnp.float32)
    edge_index1 = jax.random.randint(ks[1], (2, E1), 0, N1)
    edge_index2 = jax.random.randint(ks[2], (2, E2), 0, N2)
    s1 = 1.0 / np.sqrt(d_in)
    s2 = 1.0 / np.sqrt(d_hid)
    W1_l = jax.random.normal(ks[3], (d_in, d_hid), jnp.float32) * s1
    b1 = jnp.zeros((d_hid,), jnp.float32)
    W1_r = jax.random.normal(ks[4], (d_in, d_hid), jnp.float32) * s1
    W2_l = jax.random.normal(ks[5], (d_hid, d_out), jnp.float32) * s2
    b2 = jnp.zeros((d_out,), jnp.float32)
    W2_r = jax.random.normal(ks[6], (d_hid, d_out), jnp.float32) * s2
    return {"x": x, "edge_index1": edge_index1, "edge_index2": edge_index2,
            "n1": N1, "n2": N2,
            "W1_l": W1_l, "b1": b1, "W1_r": W1_r,
            "W2_l": W2_l, "b2": b2, "W2_r": W2_r}


def reference(x, edge_index1, edge_index2, n1, n2, W1_l, b1, W1_r, W2_l, b2, W2_r):
    N1, N2 = 5000, 2500
    # Layer 1 (bipartite SAGE): targets are first n1 rows of x
    x_t1 = jnp.where((jnp.arange(N1) < n1)[:, None], x[:N1], 0.0)
    h = _sage_layer(x, x_t1, edge_index1, N1, W1_l, b1, W1_r)
    h = jax.nn.relu(h)
    # dropout p=0.5 is a no-op in eval mode
    # Layer 2
    h_t2 = jnp.where((jnp.arange(N2) < n2)[:, None], h[:N2], 0.0)
    out = _sage_layer(h, h_t2, edge_index2, N2, W2_l, b2, W2_r)
    # mode == 'UNSUP' -> return embeddings directly
    return out

if __name__ == "__main__":
    import jax
    _d = setup_inputs()
    print(jax.jit(kernel)(*tuple(_d.values())))

</pallas_src>

<mosaic_0001>
#map = affine_map<(d0, d1) -> (0, 0)>
#map1 = affine_map<(d0, d1) -> (0, 0, 0)>
module attributes {stable_mosaic.version = 14 : i64} {
  func.func @seg_sum(%arg0: i32, %arg1: i32, %arg2: memref<5000x144xf32, #tpu.memory_space<hbm>>, %arg3: memref<2x1250x128xi32, #tpu.memory_space<hbm>>, %arg4: memref<160x144xf32, #tpu.memory_space<hbm>>, %arg5: memref<2x2560x144xf32, #tpu.memory_space<hbm>>, %arg6: memref<40x128xi32, #tpu.memory_space<vmem>>, %arg7: memref<40x128xi32, #tpu.memory_space<vmem>>, %arg8: memref<128x144xf32, #tpu.memory_space<vmem>>, %arg9: memref<128x144xf32, #tpu.memory_space<vmem>>, %arg10: memref<128x144xf32, #tpu.memory_space<vmem>>, %arg11: memref<2560x144xf32, #tpu.memory_space<vmem_shared>>, %arg12: memref<!tpu.dma_semaphore, #tpu.memory_space<semaphore_mem>>, %arg13: memref<!tpu.dma_semaphore, #tpu.memory_space<semaphore_mem>>, %arg14: memref<!tpu.dma_semaphore, #tpu.memory_space<semaphore_mem>>, %arg15: memref<!tpu.dma_semaphore, #tpu.memory_space<semaphore_mem>>, %arg16: memref<!tpu.dma_semaphore, #tpu.memory_space<semaphore_mem>>, %arg17: memref<!tpu.dma_semaphore, #tpu.memory_space<semaphore_mem>>) attributes {dimension_semantics = [#tpu.dimension_semantics<core_parallel>, #tpu.dimension_semantics<subcore_parallel>], iteration_bounds = array<i64: 2, 16>, scalar_prefetch = 0 : i64, scratch_operands = 12 : i64, tpu.core_type = #tpu.core_type<sc_vector_subcore>, window_params = [{transform_indices = #map}, {transform_indices = #map1}, {transform_indices = #map}, {transform_indices = #map1}]} {
    %mul3A = arith.constant 2 : i32
    %mul3A_0 = arith.muli %arg1, %mul3A : i32
    %add3A = arith.addi %mul3A_0, %arg0 : i32
    %lt3A = arith.constant 2 : i32
    %lt3A_1 = arith.cmpi slt, %add3A, %lt3A : i32
    %jit3A = arith.constant 1 : i32
    %jit3A_2 = arith.constant 0 : i32
    %select_n3A = arith.select %lt3A_1, %jit3A, %jit3A_2 : i32
    %add3A_3 = arith.constant 39 : i32
    %add3A_4 = arith.addi %add3A_3, %select_n3A : i32
    %mul3A_5 = arith.constant 39 : i32
    %mul3A_6 = arith.muli %add3A, %mul3A_5 : i32
    %min3A = arith.constant 2 : i32
    %min3A_7 = arith.minsi %add3A, %min3A : i32
    %add3A_8 = arith.addi %mul3A_6, %min3A_7 : i32
    %min3A_9 = arith.constant 1210 : i32
    %min3A_10 = arith.minsi %add3A_8, %min3A_9 : i32
    %sub3A = arith.subi %add3A_8, %min3A_10 : i32
    %dma_start3A = arith.constant 0 : i32
    %dma_start3A_11 = arith.constant 0 : i32
    %dma_start3A_12 = tpu.memref_slice %arg3[%dma_start3A, %min3A_10, %dma_start3A_11] : memref<2x1250x128xi32, #tpu.memory_space<hbm>> -> memref<1x40x128xi32, #tpu.memory_space<hbm>>
    %dma_start3A_13 = tpu.memref_squeeze %dma_start3A_12 : memref<1x40x128xi32, #tpu.memory_space<hbm>> -> memref<40x128xi32, #tpu.memory_space<hbm>>
    %dma_start3A_14 = arith.constant 0 : i32
    %dma_start3A_15 = tpu.memref_slice %arg3[%dma_start3A, %min3A_10, %dma_start3A_14] : memref<2x1250x128xi32, #tpu.memory_space<hbm>> -> memref<1x40x128xi32, #tpu.memory_space<hbm>>
    %dma_start3A_16 = tpu.memref_squeeze %dma_start3A_15 : memref<1x40x128xi32, #tpu.memory_space<hbm>> -> memref<40x128xi32, #tpu.memory_space<hbm>>
    tpu.enqueue_dma source(%dma_start3A_16 : memref<40x128xi32, #tpu.memory_space<hbm>>) target(%arg6 : memref<40x128xi32, #tpu.memory_space<vmem>>) target_semaphore(%arg12 : memref<!tpu.dma_semaphore, #tpu.memory_space<semaphore_mem>>)
    %dma_start3A_17 = arith.constant 1 : i32
    %dma_start3A_18 = arith.constant 0 : i32
    %dma_start3A_19 = tpu.memref_slice %arg3[%dma_start3A_17, %min3A_10, %dma_start3A_18] : memref<2x1250x128xi32, #tpu.memory_space<hbm>> -> memref<1x40x128xi32, #tpu.memory_space<hbm>>
    %dma_start3A_20 = tpu.memref_squeeze %dma_start3A_19 : memref<1x40x128xi32, #tpu.memory_space<hbm>> -> memref<40x128xi32, #tpu.memory_space<hbm>>
    %dma_start3A_21 = arith.constant 0 : i32
    %dma_start3A_22 = tpu.memref_slice %arg3[%dma_start3A_17, %min3A_10, %dma_start3A_21] : memref<2x1250x128xi32, #tpu.memory_space<hbm>> -> memref<1x40x128xi32, #tpu.memory_space<hbm>>
    %dma_start3A_23 = tpu.memref_squeeze %dma_start3A_22 : memref<1x40x128xi32, #tpu.memory_space<hbm>> -> memref<40x128xi32, #tpu.memory_space<hbm>>
    tpu.enqueue_dma source(%dma_start3A_23 : memref<40x128xi32, #tpu.memory_space<hbm>>) target(%arg7 : memref<40x128xi32, #tpu.memory_space<vmem>>) target_semaphore(%arg13 : memref<!tpu.dma_semaphore, #tpu.memory_space<semaphore_mem>>)
    %mul3A_24 = arith.constant 160 : i32
    %mul3A_25 = arith.muli %arg1, %mul3A_24 : i32
    "tpu.region"() ({
      %run_scoped3A = tpu.sem_alloc : memref<!tpu.dma_semaphore, #tpu.memory_space<semaphore_mem>>
      %dma_start3A_74 = arith.constant 0 : i32
      %dma_start3A_75 = tpu.memref_slice %arg11[%mul3A_25, %dma_start3A_74] : memref<2560x144xf32, #tpu.memory_space<vmem_shared>> -> memref<160x144xf32, #tpu.memory_space<vmem_shared>>
      %dma_start3A_76 = arith.constant 0 : i32
      %dma_start3A_77 = arith.constant 0 : i32
      %dma_start3A_78 = tpu.memref_slice %arg4[%dma_start3A_76, %dma_start3A_77] : memref<160x144xf32, #tpu.memory_space<hbm>> -> memref<160x144xf32, #tpu.memory_space<hbm>>
      tpu.enqueue_dma source(%dma_start3A_78 : memref<160x144xf32, #tpu.memory_space<hbm>>) target(%dma_start3A_75 : memref<160x144xf32, #tpu.memory_space<vmem_shared>>) target_semaphore(%run_scoped3A : memref<!tpu.dma_semaphore, #tpu.memory_space<semaphore_mem>>)
      %dma_wait3A_79 = arith.constant 0 : i32
      %dma_wait3A_80 = tpu.memref_slice %arg11[%mul3A_25, %dma_wait3A_79] : memref<2560x144xf32, #tpu.memory_space<vmem_shared>> -> memref<160x144xf32, #tpu.memory_space<vmem_shared>>
      %dma_wait3A_81 = arith.constant 0 : i32
      %dma_wait3A_82 = arith.constant 0 : i32
      %dma_wait3A_83 = tpu.memref_slice %arg4[%dma_wait3A_81, %dma_wait3A_82] : memref<160x144xf32, #tpu.memory_space<hbm>> -> memref<160x144xf32, #tpu.memory_space<hbm>>
      tpu.wait_dma2 semaphore(%run_scoped3A : memref<!tpu.dma_semaphore, #tpu.memory_space<semaphore_mem>>) src(%dma_wait3A_83 : memref<160x144xf32, #tpu.memory_space<hbm>>) dst(%dma_wait3A_80 : memref<160x144xf32, #tpu.memory_space<vmem_shared>>)
      tpu.yield
    }) : () -> ()
    %dma_wait3A = arith.constant 0 : i32
    %dma_wait3A_26 = arith.constant 0 : i32
    %dma_wait3A_27 = tpu.memref_slice %arg3[%dma_wait3A, %min3A_10, %dma_wait3A_26] : memref<2x1250x128xi32, #tpu.memory_space<hbm>> -> memref<1x40x128xi32, #tpu.memory_space<hbm>>
    %dma_wait3A_28 = tpu.memref_squeeze %dma_wait3A_27 : memref<1x40x128xi32, #tpu.memory_space<hbm>> -> memref<40x128xi32, #tpu.memory_space<hbm>>
    %dma_wait3A_29 = arith.constant 0 : i32
    %dma_wait3A_30 = tpu.memref_slice %arg3[%dma_wait3A, %min3A_10, %dma_wait3A_29] : memref<2x1250x128xi32, #tpu.memory_space<hbm>> -> memref<1x40x128xi32, #tpu.memory_space<hbm>>
    %dma_wait3A_31 = tpu.memref_squeeze %dma_wait3A_30 : memref<1x40x128xi32, #tpu.memory_space<hbm>> -> memref<40x128xi32, #tpu.memory_space<hbm>>
    tpu.wait_dma2 semaphore(%arg12 : memref<!tpu.dma_semaphore, #tpu.memory_space<semaphore_mem>>) src(%dma_wait3A_31 : memref<40x128xi32, #tpu.memory_space<hbm>>) dst(%arg6 : memref<40x128xi32, #tpu.memory_space<vmem>>)
    %dma_wait3A_32 = arith.constant 1 : i32
    %dma_wait3A_33 = arith.constant 0 : i32
    %dma_wait3A_34 = tpu.memref_slice %arg3[%dma_wait3A_32, %min3A_10, %dma_wait3A_33] : memref<2x1250x128xi32, #tpu.memory_space<hbm>> -> memref<1x40x128xi32, #tpu.memory_space<hbm>>
    %dma_wait3A_35 = tpu.memref_squeeze %dma_wait3A_34 : memref<1x40x128xi32, #tpu.memory_space<hbm>> -> memref<40x128xi32, #tpu.memory_space<hbm>>
    %dma_wait3A_36 = arith.constant 0 : i32
    %dma_wait3A_37 = tpu.memref_slice %arg3[%dma_wait3A_32, %min3A_10, %dma_wait3A_36] : memref<2x1250x128xi32, #tpu.memory_space<hbm>> -> memref<1x40x128xi32, #tpu.memory_space<hbm>>
    %dma_wait3A_38 = tpu.memref_squeeze %dma_wait3A_37 : memref<1x40x128xi32, #tpu.memory_space<hbm>> -> memref<40x128xi32, #tpu.memory_space<hbm>>
    tpu.wait_dma2 semaphore(%arg13 : memref<!tpu.dma_semaphore, #tpu.memory_space<semaphore_mem>>) src(%dma_wait3A_38 : memref<40x128xi32, #tpu.memory_space<hbm>>) dst(%arg7 : memref<40x128xi32, #tpu.memory_space<vmem>>)
    %barrier3A = arith.constant 0 : index
    tpu.barrier barrier_id(%barrier3A)
    %gt3A = arith.constant 0 : i32
    %gt3A_39 = arith.cmpi sgt, %add3A_4, %gt3A : i32
    %convert_element_type3A = arith.extui %gt3A_39 : i1 to i32
    %cond3A = arith.constant 0 : i32
    %cond3A_40 = arith.cmpi ne, %convert_element_type3A, %cond3A : i32
    scf.if %cond3A_40 {
      %add3A_74 = arith.constant 0 : i32
      %add3A_75 = arith.addi %sub3A, %add3A_74 : i32
      %dma_start3A_76 = arith.constant 0 : i32
      %dma_start3A_77 = tpu.memref_slice %arg6[%add3A_75, %dma_start3A_76] : memref<40x128xi32, #tpu.memory_space<vmem>> -> memref<1x128xi32, #tpu.memory_space<vmem>>
      %dma_start3A_78 = tpu.memref_squeeze %dma_start3A_77 : memref<1x128xi32, #tpu.memory_space<vmem>> -> memref<128xi32, #tpu.memory_space<vmem>>
      %dma_start3A_79 = arith.constant 0 : i32
      %dma_start3A_80 = arith.constant 0 : i32
      %dma_start3A_81 = tpu.memref_slice %arg2[%dma_start3A_79, %dma_start3A_80] : memref<5000x144xf32, #tpu.memory_space<hbm>> -> memref<5000x144xf32, #tpu.memory_space<hbm>>
      tpu.enqueue_indirect_dma source(%dma_start3A_81 : memref<5000x144xf32, #tpu.memory_space<hbm>>) target(%arg8 : memref<128x144xf32, #tpu.memory_space<vmem>>) offsets(%dma_start3A_78 : memref<128xi32, #tpu.memory_space<vmem>>) semaphore(%arg12 : memref<!tpu.dma_semaphore, #tpu.memory_space<semaphore_mem>>)
    } else {
    }
    %gt3A_41 = arith.constant 1 : i32
    %gt3A_42 = arith.cmpi sgt, %add3A_4, %gt3A_41 : i32
    %convert_element_type3A_43 = arith.extui %gt3A_42 : i1 to i32
    %cond3A_44 = arith.constant 0 : i32
    %cond3A_45 = arith.cmpi ne, %convert_element_type3A_43, %cond3A_44 : i32
    scf.if %cond3A_45 {
      %add3A_74 = arith.constant 1 : i32
      %add3A_75 = arith.addi %sub3A, %add3A_74 : i32
      %dma_start3A_76 = arith.constant 0 : i32
      %dma_start3A_77 = tpu.memref_slice %arg6[%add3A_75, %dma_start3A_76] : memref<40x128xi32, #tpu.memory_space<vmem>> -> memref<1x128xi32, #tpu.memory_space<vmem>>
      %dma_start3A_78 = tpu.memref_squeeze %dma_start3A_77 : memref<1x128xi32, #tpu.memory_space<vmem>> -> memref<128xi32, #tpu.memory_space<vmem>>
      %dma_start3A_79 = arith.constant 0 : i32
      %dma_start3A_80 = arith.constant 0 : i32
      %dma_start3A_81 = tpu.memref_slice %arg2[%dma_start3A_79, %dma_start3A_80] : memref<5000x144xf32, #tpu.memory_space<hbm>> -> memref<5000x144xf32, #tpu.memory_space<hbm>>
      tpu.enqueue_indirect_dma source(%dma_start3A_81 : memref<5000x144xf32, #tpu.memory_space<hbm>>) target(%arg9 : memref<128x144xf32, #tpu.memory_space<vmem>>) offsets(%dma_start3A_78 : memref<128xi32, #tpu.memory_space<vmem>>) semaphore(%arg13 : memref<!tpu.dma_semaphore, #tpu.memory_space<semaphore_mem>>)
    } else {
    }
    %scan3A = arith.constant 0 : i32
    %scan3A_46 = arith.constant 0 : i32
    %scan3A_47 = arith.constant 14 : i32
    %scan3A_48 = arith.addi %scan3A_46, %scan3A_47 : i32
    %scan3A_49 = arith.constant 1 : i32
    %scan3A_50 = scf.for %scan3A_74 = %scan3A_46 to %scan3A_48 step %scan3A_49 iter_args(%scan3A_75 = %scan3A) -> (i32)  : i32 {
      %mul3A_76 = arith.constant 3 : i32
      %mul3A_77 = arith.muli %mul3A_76, %scan3A_74 : i32
      %add3A_78 = arith.constant 0 : i32
      %add3A_79 = arith.addi %mul3A_77, %add3A_78 : i32
      %lt3A_80 = arith.cmpi slt, %add3A_79, %add3A_4 : i32
      %convert_element_type3A_81 = arith.extui %lt3A_80 : i1 to i32
      %cond3A_82 = arith.constant 0 : i32
      %cond3A_83 = arith.cmpi ne, %convert_element_type3A_81, %cond3A_82 : i32
      scf.if %cond3A_83 {
        %dma_wait3A_115 = arith.constant 0 : i32
        %dma_wait3A_116 = arith.constant 0 : i32
        %dma_wait3A_117 = tpu.memref_slice %arg2[%dma_wait3A_115, %dma_wait3A_116] : memref<5000x144xf32, #tpu.memory_space<hbm>> -> memref<128x144xf32, #tpu.memory_space<hbm>>
        %dma_wait3A_118 = arith.constant 0 : i32
        %dma_wait3A_119 = arith.constant 0 : i32
        %dma_wait3A_120 = tpu.memref_slice %arg2[%dma_wait3A_118, %dma_wait3A_119] : memref<5000x144xf32, #tpu.memory_space<hbm>> -> memref<128x144xf32, #tpu.memory_space<hbm>>
        tpu.wait_dma2 semaphore(%arg12 : memref<!tpu.dma_semaphore, #tpu.memory_space<semaphore_mem>>) src(%dma_wait3A_120 : memref<128x144xf32, #tpu.memory_space<hbm>>) dst(%arg8 : memref<128x144xf32, #tpu.memory_space<vmem>>)
        %add3A_121 = arith.addi %sub3A, %add3A_79 : i32
        %dma_start3A_122 = arith.constant 0 : i32
        %dma_start3A_123 = tpu.memref_slice %arg7[%add3A_121, %dma_start3A_122] : memref<40x128xi32, #tpu.memory_space<vmem>> -> memref<1x128xi32, #tpu.memory_space<vmem>>
        %dma_start3A_124 = tpu.memref_squeeze %dma_start3A_123 : memref<1x128xi32, #tpu.memory_space<vmem>> -> memref<128xi32, #tpu.memory_space<vmem>>
        %dma_start3A_125 = arith.constant 0 : i32
        %dma_start3A_126 = arith.constant 0 : i32
        %dma_start3A_127 = tpu.memref_slice %arg11[%dma_start3A_125, %dma_start3A_126] : memref<2560x144xf32, #tpu.memory_space<vmem_shared>> -> memref<2560x144xf32, #tpu.memory_space<vmem_shared>>
        tpu.enqueue_indirect_dma source(%arg8 : memref<128x144xf32, #tpu.memory_space<vmem>>) target(%dma_start3A_127 : memref<2560x144xf32, #tpu.memory_space<vmem_shared>>) offsets(%dma_start3A_124 : memref<128xi32, #tpu.memory_space<vmem>>) semaphore(%arg15 : memref<!tpu.dma_semaphore, #tpu.memory_space<semaphore_mem>>) {add = true}
      } else {
      }
      %add3A_84 = arith.constant 2 : i32
      %add3A_85 = arith.addi %add3A_79, %add3A_84 : i32
      %lt3A_86 = arith.cmpi slt, %add3A_85, %add3A_4 : i32
      %convert_element_type3A_87 = arith.extui %lt3A_86 : i1 to i32
      %cond3A_88 = arith.constant 0 : i32
      %cond3A_89 = arith.cmpi ne, %convert_element_type3A_87, %cond3A_88 : i32
      scf.if %cond3A_89 {
        %ge3A = arith.constant 3 : i32
        %ge3A_115 = arith.cmpi sge, %add3A_85, %ge3A : i32
        %convert_element_type3A_116 = arith.extui %ge3A_115 : i1 to i32
        %cond3A_117 = arith.constant 0 : i32
        %cond3A_118 = arith.cmpi ne, %convert_element_type3A_116, %cond3A_117 : i32
        scf.if %cond3A_118 {
          %dma_wait3A_126 = arith.constant 0 : i32
          %dma_wait3A_127 = arith.constant 0 : i32
          %dma_wait3A_128 = tpu.memref_slice %arg11[%dma_wait3A_126, %dma_wait3A_127] : memref<2560x144xf32, #tpu.memory_space<vmem_shared>> -> memref<128x144xf32, #tpu.memory_space<vmem_shared>>
          %dma_wait3A_129 = arith.constant 0 : i32
          %dma_wait3A_130 = arith.constant 0 : i32
          %dma_wait3A_131 = tpu.memref_slice %arg11[%dma_wait3A_129, %dma_wait3A_130] : memref<2560x144xf32, #tpu.memory_space<vmem_shared>> -> memref<128x144xf32, #tpu.memory_space<vmem_shared>>
          tpu.wait_dma2 semaphore(%arg17 : memref<!tpu.dma_semaphore, #tpu.memory_space<semaphore_mem>>) src(%arg10 : memref<128x144xf32, #tpu.memory_space<vmem>>) dst(%dma_wait3A_131 : memref<128x144xf32, #tpu.memory_space<vmem_shared>>)
        } else {
        }
        %add3A_119 = arith.addi %sub3A, %add3A_85 : i32
        %dma_start3A_120 = arith.constant 0 : i32
        %dma_start3A_121 = tpu.memref_slice %arg6[%add3A_119, %dma_start3A_120] : memref<40x128xi32, #tpu.memory_space<vmem>> -> memref<1x128xi32, #tpu.memory_space<vmem>>
        %dma_start3A_122 = tpu.memref_squeeze %dma_start3A_121 : memref<1x128xi32, #tpu.memory_space<vmem>> -> memref<128xi32, #tpu.memory_space<vmem>>
        %dma_start3A_123 = arith.constant 0 : i32
        %dma_start3A_124 = arith.constant 0 : i32
        %dma_start3A_125 = tpu.memref_slice %arg2[%dma_start3A_123, %dma_start3A_124] : memref<5000x144xf32, #tpu.memory_space<hbm>> -> memref<5000x144xf32, #tpu.memory_space<hbm>>
        tpu.enqueue_indirect_dma source(%dma_start3A_125 : memref<5000x144xf32, #tpu.memory_space<hbm>>) target(%arg10 : memref<128x144xf32, #tpu.memory_space<vmem>>) offsets(%dma_start3A_122 : memref<128xi32, #tpu.memory_space<vmem>>) semaphore(%arg14 : memref<!tpu.dma_semaphore, #tpu.memory_space<semaphore_mem>>)
      } else {
      }
      %add3A_90 = arith.constant 1 : i32
      %add3A_91 = arith.addi %mul3A_77, %add3A_90 : i32
      %lt3A_92 = arith.cmpi slt, %add3A_91, %add3A_4 : i32
      %convert_element_type3A_93 = arith.extui %lt3A_92 : i1 to i32
      %cond3A_94 = arith.constant 0 : i32
      %cond3A_95 = arith.cmpi ne, %convert_element_type3A_93, %cond3A_94 : i32
      scf.if %cond3A_95 {
        %dma_wait3A_115 = arith.constant 0 : i32
        %dma_wait3A_116 = arith.constant 0 : i32
        %dma_wait3A_117 = tpu.memref_slice %arg2[%dma_wait3A_115, %dma_wait3A_116] : memref<5000x144xf32, #tpu.memory_space<hbm>> -> memref<128x144xf32, #tpu.memory_space<hbm>>
        %dma_wait3A_118 = arith.constant 0 : i32
        %dma_wait3A_119 = arith.constant 0 : i32
        %dma_wait3A_120 = tpu.memref_slice %arg2[%dma_wait3A_118, %dma_wait3A_119] : memref<5000x144xf32, #tpu.memory_space<hbm>> -> memref<128x144xf32, #tpu.memory_space<hbm>>
        tpu.wait_dma2 semaphore(%arg13 : memref<!tpu.dma_semaphore, #tpu.memory_space<semaphore_mem>>) src(%dma_wait3A_120 : memref<128x144xf32, #tpu.memory_space<hbm>>) dst(%arg9 : memref<128x144xf32, #tpu.memory_space<vmem>>)
        %add3A_121 = arith.addi %sub3A, %add3A_91 : i32
        %dma_start3A_122 = arith.constant 0 : i32
        %dma_start3A_123 = tpu.memref_slice %arg7[%add3A_121, %dma_start3A_122] : memref<40x128xi32, #tpu.memory_space<vmem>> -> memref<1x128xi32, #tpu.memory_space<vmem>>
        %dma_start3A_124 = tpu.memref_squeeze %dma_start3A_123 : memref<1x128xi32, #tpu.memory_space<vmem>> -> memref<128xi32, #tpu.memory_space<vmem>>
        %dma_start3A_125 = arith.constant 0 : i32
        %dma_start3A_126 = arith.constant 0 : i32
        %dma_start3A_127 = tpu.memref_slice %arg11[%dma_start3A_125, %dma_start3A_126] : memref<2560x144xf32, #tpu.memory_space<vmem_shared>> -> memref<2560x144xf32, #tpu.memory_space<vmem_shared>>
        tpu.enqueue_indirect_dma source(%arg9 : memref<128x144xf32, #tpu.memory_space<vmem>>) target(%dma_start3A_127 : memref<2560x144xf32, #tpu.memory_space<vmem_shared>>) offsets(%dma_start3A_124 : memref<128xi32, #tpu.memory_space<vmem>>) semaphore(%arg16 : memref<!tpu.dma_semaphore, #tpu.memory_space<semaphore_mem>>) {add = true}
      } else {
      }
      %add3A_96 = arith.constant 2 : i32
      %add3A_97 = arith.addi %add3A_91, %add3A_96 : i32
      %lt3A_98 = arith.cmpi slt, %add3A_97, %add3A_4 : i32
      %convert_element_type3A_99 = arith.extui %lt3A_98 : i1 to i32
      %cond3A_100 = arith.constant 0 : i32
      %cond3A_101 = arith.cmpi ne, %convert_element_type3A_99, %cond3A_100 : i32
      scf.if %cond3A_101 {
        %ge3A = arith.constant 3 : i32
        %ge3A_115 = arith.cmpi sge, %add3A_97, %ge3A : i32
        %convert_element_type3A_116 = arith.extui %ge3A_115 : i1 to i32
        %cond3A_117 = arith.constant 0 : i32
        %cond3A_118 = arith.cmpi ne, %convert_element_type3A_116, %cond3A_117 : i32
        scf.if %cond3A_118 {
          %dma_wait3A_126 = arith.constant 0 : i32
          %dma_wait3A_127 = arith.constant 0 : i32
          %dma_wait3A_128 = tpu.memref_slice %arg11[%dma_wait3A_126, %dma_wait3A_127] : memref<2560x144xf32, #tpu.memory_space<vmem_shared>> -> memref<128x144xf32, #tpu.memory_space<vmem_shared>>
          %dma_wait3A_129 = arith.constant 0 : i32
          %dma_wait3A_130 = arith.constant 0 : i32
          %dma_wait3A_131 = tpu.memref_slice %arg11[%dma_wait3A_129, %dma_wait3A_130] : memref<2560x144xf32, #tpu.memory_space<vmem_shared>> -> memref<128x144xf32, #tpu.memory_space<vmem_shared>>
          tpu.wait_dma2 semaphore(%arg15 : memref<!tpu.dma_semaphore, #tpu.memory_space<semaphore_mem>>) src(%arg8 : memref<128x144xf32, #tpu.memory_space<vmem>>) dst(%dma_wait3A_131 : memref<128x144xf32, #tpu.memory_space<vmem_shared>>)
        } else {
        }
        %add3A_119 = arith.addi %sub3A, %add3A_97 : i32
        %dma_start3A_120 = arith.constant 0 : i32
        %dma_start3A_121 = tpu.memref_slice %arg6[%add3A_119, %dma_start3A_120] : memref<40x128xi32, #tpu.memory_space<vmem>> -> memref<1x128xi32, #tpu.memory_space<vmem>>
        %dma_start3A_122 = tpu.memref_squeeze %dma_start3A_121 : memref<1x128xi32, #tpu.memory_space<vmem>> -> memref<128xi32, #tpu.memory_space<vmem>>
        %dma_start3A_123 = arith.constant 0 : i32
        %dma_start3A_124 = arith.constant 0 : i32
        %dma_start3A_125 = tpu.memref_slice %arg2[%dma_start3A_123, %dma_start3A_124] : memref<5000x144xf32, #tpu.memory_space<hbm>> -> memref<5000x144xf32, #tpu.memory_space<hbm>>
        tpu.enqueue_indirect_dma source(%dma_start3A_125 : memref<5000x144xf32, #tpu.memory_space<hbm>>) target(%arg8 : memref<128x144xf32, #tpu.memory_space<vmem>>) offsets(%dma_start3A_122 : memref<128xi32, #tpu.memory_space<vmem>>) semaphore(%arg12 : memref<!tpu.dma_semaphore, #tpu.memory_space<semaphore_mem>>)
      } else {
      }
      %add3A_102 = arith.constant 2 : i32
      %add3A_103 = arith.addi %mul3A_77, %add3A_102 : i32
      %lt3A_104 = arith.cmpi slt, %add3A_103, %add3A_4 : i32
      %convert_element_type3A_105 = arith.extui %lt3A_104 : i1 to i32
      %cond3A_106 = arith.constant 0 : i32
      %cond3A_107 = arith.cmpi ne, %convert_element_type3A_105, %cond3A_106 : i32
      scf.if %cond3A_107 {
        %dma_wait3A_115 = arith.constant 0 : i32
        %dma_wait3A_116 = arith.constant 0 : i32
        %dma_wait3A_117 = tpu.memref_slice %arg2[%dma_wait3A_115, %dma_wait3A_116] : memref<5000x144xf32, #tpu.memory_space<hbm>> -> memref<128x144xf32, #tpu.memory_space<hbm>>
        %dma_wait3A_118 = arith.constant 0 : i32
        %dma_wait3A_119 = arith.constant 0 : i32
        %dma_wait3A_120 = tpu.memref_slice %arg2[%dma_wait3A_118, %dma_wait3A_119] : memref<5000x144xf32, #tpu.memory_space<hbm>> -> memref<128x144xf32, #tpu.memory_space<hbm>>
        tpu.wait_dma2 semaphore(%arg14 : memref<!tpu.dma_semaphore, #tpu.memory_space<semaphore_mem>>) src(%dma_wait3A_120 : memref<128x144xf32, #tpu.memory_space<hbm>>) dst(%arg10 : memref<128x144xf32, #tpu.memory_space<vmem>>)
        %add3A_121 = arith.addi %sub3A, %add3A_103 : i32
        %dma_start3A_122 = arith.constant 0 : i32
        %dma_start3A_123 = tpu.memref_slice %arg7[%add3A_121, %dma_start3A_122] : memref<40x128xi32, #tpu.memory_space<vmem>> -> memref<1x128xi32, #tpu.memory_space<vmem>>
        %dma_start3A_124 = tpu.memref_squeeze %dma_start3A_123 : memref<1x128xi32, #tpu.memory_space<vmem>> -> memref<128xi32, #tpu.memory_space<vmem>>
        %dma_start3A_125 = arith.constant 0 : i32
        %dma_start3A_126 = arith.constant 0 : i32
        %dma_start3A_127 = tpu.memref_slice %arg11[%dma_start3A_125, %dma_start3A_126] : memref<2560x144xf32, #tpu.memory_space<vmem_shared>> -> memref<2560x144xf32, #tpu.memory_space<vmem_shared>>
        tpu.enqueue_indirect_dma source(%arg10 : memref<128x144xf32, #tpu.memory_space<vmem>>) target(%dma_start3A_127 : memref<2560x144xf32, #tpu.memory_space<vmem_shared>>) offsets(%dma_start3A_124 : memref<128xi32, #tpu.memory_space<vmem>>) semaphore(%arg17 : memref<!tpu.dma_semaphore, #tpu.memory_space<semaphore_mem>>) {add = true}
      } else {
      }
      %add3A_108 = arith.constant 2 : i32
      %add3A_109 = arith.addi %add3A_103, %add3A_108 : i32
      %lt3A_110 = arith.cmpi slt, %add3A_109, %add3A_4 : i32
      %convert_element_type3A_111 = arith.extui %lt3A_110 : i1 to i32
      %cond3A_112 = arith.constant 0 : i32
      %cond3A_113 = arith.cmpi ne, %convert_element_type3A_111, %cond3A_112 : i32
      scf.if %cond3A_113 {
        %ge3A = arith.constant 3 : i32
        %ge3A_115 = arith.cmpi sge, %add3A_109, %ge3A : i32
        %convert_element_type3A_116 = arith.extui %ge3A_115 : i1 to i32
        %cond3A_117 = arith.constant 0 : i32
        %cond3A_118 = arith.cmpi ne, %convert_element_type3A_116, %cond3A_117 : i32
        scf.if %cond3A_118 {
          %dma_wait3A_126 = arith.constant 0 : i32
          %dma_wait3A_127 = arith.constant 0 : i32
          %dma_wait3A_128 = tpu.memref_slice %arg11[%dma_wait3A_126, %dma_wait3A_127] : memref<2560x144xf32, #tpu.memory_space<vmem_shared>> -> memref<128x144xf32, #tpu.memory_space<vmem_shared>>
          %dma_wait3A_129 = arith.constant 0 : i32
          %dma_wait3A_130 = arith.constant 0 : i32
          %dma_wait3A_131 = tpu.memref_slice %arg11[%dma_wait3A_129, %dma_wait3A_130] : memref<2560x144xf32, #tpu.memory_space<vmem_shared>> -> memref<128x144xf32, #tpu.memory_space<vmem_shared>>
          tpu.wait_dma2 semaphore(%arg16 : memref<!tpu.dma_semaphore, #tpu.memory_space<semaphore_mem>>) src(%arg9 : memref<128x144xf32, #tpu.memory_space<vmem>>) dst(%dma_wait3A_131 : memref<128x144xf32, #tpu.memory_space<vmem_shared>>)
        } else {
        }
        %add3A_119 = arith.addi %sub3A, %add3A_109 : i32
        %dma_start3A_120 = arith.constant 0 : i32
        %dma_start3A_121 = tpu.memref_slice %arg6[%add3A_119, %dma_start3A_120] : memref<40x128xi32, #tpu.memory_space<vmem>> -> memref<1x128xi32, #tpu.memory_space<vmem>>
        %dma_start3A_122 = tpu.memref_squeeze %dma_start3A_121 : memref<1x128xi32, #tpu.memory_space<vmem>> -> memref<128xi32, #tpu.memory_space<vmem>>
        %dma_start3A_123 = arith.constant 0 : i32
        %dma_start3A_124 = arith.constant 0 : i32
        %dma_start3A_125 = tpu.memref_slice %arg2[%dma_start3A_123, %dma_start3A_124] : memref<5000x144xf32, #tpu.memory_space<hbm>> -> memref<5000x144xf32, #tpu.memory_space<hbm>>
        tpu.enqueue_indirect_dma source(%dma_start3A_125 : memref<5000x144xf32, #tpu.memory_space<hbm>>) target(%arg9 : memref<128x144xf32, #tpu.memory_space<vmem>>) offsets(%dma_start3A_122 : memref<128xi32, #tpu.memory_space<vmem>>) semaphore(%arg13 : memref<!tpu.dma_semaphore, #tpu.memory_space<semaphore_mem>>)
      } else {
      }
      %scan3A_114 = arith.constant 0 : i32
      scf.yield %scan3A_114 : i32
    }
    %scan3A_51 = arith.constant 14 : i32
    %min3A_52 = arith.constant 3 : i32
    %min3A_53 = arith.minsi %add3A_4, %min3A_52 : i32
    %gt3A_54 = arith.constant 0 : i32
    %gt3A_55 = arith.cmpi sgt, %min3A_53, %gt3A_54 : i32
    %convert_element_type3A_56 = arith.extui %gt3A_55 : i1 to i32
    %cond3A_57 = arith.constant 0 : i32
    %cond3A_58 = arith.cmpi ne, %convert_element_type3A_56, %cond3A_57 : i32
    scf.if %cond3A_58 {
      %dma_wait3A_74 = arith.constant 0 : i32
      %dma_wait3A_75 = arith.constant 0 : i32
      %dma_wait3A_76 = tpu.memref_slice %arg11[%dma_wait3A_74, %dma_wait3A_75] : memref<2560x144xf32, #tpu.memory_space<vmem_shared>> -> memref<128x144xf32, #tpu.memory_space<vmem_shared>>
      %dma_wait3A_77 = arith.constant 0 : i32
      %dma_wait3A_78 = arith.constant 0 : i32
      %dma_wait3A_79 = tpu.memref_slice %arg11[%dma_wait3A_77, %dma_wait3A_78] : memref<2560x144xf32, #tpu.memory_space<vmem_shared>> -> memref<128x144xf32, #tpu.memory_space<vmem_shared>>
      tpu.wait_dma2 semaphore(%arg15 : memref<!tpu.dma_semaphore, #tpu.memory_space<semaphore_mem>>) src(%arg8 : memref<128x144xf32, #tpu.memory_space<vmem>>) dst(%dma_wait3A_79 : memref<128x144xf32, #tpu.memory_space<vmem_shared>>)
    } else {
    }
    %min3A_59 = arith.constant 3 : i32
    %min3A_60 = arith.minsi %add3A_4, %min3A_59 : i32
    %gt3A_61 = arith.constant 1 : i32
    %gt3A_62 = arith.cmpi sgt, %min3A_60, %gt3A_61 : i32
    %convert_element_type3A_63 = arith.extui %gt3A_62 : i1 to i32
    %cond3A_64 = arith.constant 0 : i32
    %cond3A_65 = arith.cmpi ne, %convert_element_type3A_63, %cond3A_64 : i32
    scf.if %cond3A_65 {
      %dma_wait3A_74 = arith.constant 0 : i32
      %dma_wait3A_75 = arith.constant 0 : i32
      %dma_wait3A_76 = tpu.memref_slice %arg11[%dma_wait3A_74, %dma_wait3A_75] : memref<2560x144xf32, #tpu.memory_space<vmem_shared>> -> memref<128x144xf32, #tpu.memory_space<vmem_shared>>
      %dma_wait3A_77 = arith.constant 0 : i32
      %dma_wait3A_78 = arith.constant 0 : i32
      %dma_wait3A_79 = tpu.memref_slice %arg11[%dma_wait3A_77, %dma_wait3A_78] : memref<2560x144xf32, #tpu.memory_space<vmem_shared>> -> memref<128x144xf32, #tpu.memory_space<vmem_shared>>
      tpu.wait_dma2 semaphore(%arg16 : memref<!tpu.dma_semaphore, #tpu.memory_space<semaphore_mem>>) src(%arg9 : memref<128x144xf32, #tpu.memory_space<vmem>>) dst(%dma_wait3A_79 : memref<128x144xf32, #tpu.memory_space<vmem_shared>>)
    } else {
    }
    %min3A_66 = arith.constant 3 : i32
    %min3A_67 = arith.minsi %add3A_4, %min3A_66 : i32
    %gt3A_68 = arith.constant 2 : i32
    %gt3A_69 = arith.cmpi sgt, %min3A_67, %gt3A_68 : i32
    %convert_element_type3A_70 = arith.extui %gt3A_69 : i1 to i32
    %cond3A_71 = arith.constant 0 : i32
    %cond3A_72 = arith.cmpi ne, %convert_element_type3A_70, %cond3A_71 : i32
    scf.if %cond3A_72 {
      %dma_wait3A_74 = arith.constant 0 : i32
      %dma_wait3A_75 = arith.constant 0 : i32
      %dma_wait3A_76 = tpu.memref_slice %arg11[%dma_wait3A_74, %dma_wait3A_75] : memref<2560x144xf32, #tpu.memory_space<vmem_shared>> -> memref<128x144xf32, #tpu.memory_space<vmem_shared>>
      %dma_wait3A_77 = arith.constant 0 : i32
      %dma_wait3A_78 = arith.constant 0 : i32
      %dma_wait3A_79 = tpu.memref_slice %arg11[%dma_wait3A_77, %dma_wait3A_78] : memref<2560x144xf32, #tpu.memory_space<vmem_shared>> -> memref<128x144xf32, #tpu.memory_space<vmem_shared>>
      tpu.wait_dma2 semaphore(%arg17 : memref<!tpu.dma_semaphore, #tpu.memory_space<semaphore_mem>>) src(%arg10 : memref<128x144xf32, #tpu.memory_space<vmem>>) dst(%dma_wait3A_79 : memref<128x144xf32, #tpu.memory_space<vmem_shared>>)
    } else {
    }
    %barrier3A_73 = arith.constant 0 : index
    tpu.barrier barrier_id(%barrier3A_73)
    "tpu.region"() ({
      %run_scoped3A = tpu.sem_alloc : memref<!tpu.dma_semaphore, #tpu.memory_space<semaphore_mem>>
      %dma_start3A_74 = arith.constant 0 : i32
      %dma_start3A_75 = tpu.memref_slice %arg5[%arg0, %mul3A_25, %dma_start3A_74] : memref<2x2560x144xf32, #tpu.memory_space<hbm>> -> memref<1x160x144xf32, #tpu.memory_space<hbm>>
      %dma_start3A_76 = tpu.memref_squeeze %dma_start3A_75 : memref<1x160x144xf32, #tpu.memory_space<hbm>> -> memref<160x144xf32, #tpu.memory_space<hbm>>
      %dma_start3A_77 = arith.constant 0 : i32
      %dma_start3A_78 = tpu.memref_slice %arg11[%mul3A_25, %dma_start3A_77] : memref<2560x144xf32, #tpu.memory_space<vmem_shared>> -> memref<160x144xf32, #tpu.memory_space<vmem_shared>>
      tpu.enqueue_dma source(%dma_start3A_78 : memref<160x144xf32, #tpu.memory_space<vmem_shared>>) target(%dma_start3A_76 : memref<160x144xf32, #tpu.memory_space<hbm>>) target_semaphore(%run_scoped3A : memref<!tpu.dma_semaphore, #tpu.memory_space<semaphore_mem>>)
      %dma_wait3A_79 = arith.constant 0 : i32
      %dma_wait3A_80 = tpu.memref_slice %arg5[%arg0, %mul3A_25, %dma_wait3A_79] : memref<2x2560x144xf32, #tpu.memory_space<hbm>> -> memref<1x160x144xf32, #tpu.memory_space<hbm>>
      %dma_wait3A_81 = tpu.memref_squeeze %dma_wait3A_80 : memref<1x160x144xf32, #tpu.memory_space<hbm>> -> memref<160x144xf32, #tpu.memory_space<hbm>>
      %dma_wait3A_82 = arith.constant 0 : i32
      %dma_wait3A_83 = tpu.memref_slice %arg11[%mul3A_25, %dma_wait3A_82] : memref<2560x144xf32, #tpu.memory_space<vmem_shared>> -> memref<160x144xf32, #tpu.memory_space<vmem_shared>>
      tpu.wait_dma2 semaphore(%run_scoped3A : memref<!tpu.dma_semaphore, #tpu.memory_space<semaphore_mem>>) src(%dma_wait3A_83 : memref<160x144xf32, #tpu.memory_space<vmem_shared>>) dst(%dma_wait3A_81 : memref<160x144xf32, #tpu.memory_space<hbm>>)
      tpu.yield
    }) : () -> ()
    return
  }
}

#map = affine_map<(d0, d1) -> (0, 0)>
#map1 = affine_map<(d0, d1) -> (0, 0, 0)>
module attributes {stable_mosaic.version = 14 : i64} {
  func.func @seg_sum(%arg0: i32, %arg1: i32, %arg2: memref<10000x144xf32, #tpu.memory_space<hbm>>, %arg3: memref<2x2500x128xi32, #tpu.memory_space<hbm>>, %arg4: memref<320x144xf32, #tpu.memory_space<hbm>>, %arg5: memref<2x5120x144xf32, #tpu.memory_space<hbm>>, %arg6: memref<79x128xi32, #tpu.memory_space<vmem>>, %arg7: memref<79x128xi32, #tpu.memory_space<vmem>>, %arg8: memref<128x144xf32, #tpu.memory_space<vmem>>, %arg9: memref<128x144xf32, #tpu.memory_space<vmem>>, %arg10: memref<128x144xf32, #tpu.memory_space<vmem>>, %arg11: memref<5120x144xf32, #tpu.memory_space<vmem_shared>>, %arg12: memref<!tpu.dma_semaphore, #tpu.memory_space<semaphore_mem>>, %arg13: memref<!tpu.dma_semaphore, #tpu.memory_space<semaphore_mem>>, %arg14: memref<!tpu.dma_semaphore, #tpu.memory_space<semaphore_mem>>, %arg15: memref<!tpu.dma_semaphore, #tpu.memory_space<semaphore_mem>>, %arg16: memref<!tpu.dma_semaphore, #tpu.memory_space<semaphore_mem>>, %arg17: memref<!tpu.dma_semaphore, #tpu.memory_space<semaphore_mem>>) attributes {dimension_semantics = [#tpu.dimension_semantics<core_parallel>, #tpu.dimension_semantics<subcore_parallel>], iteration_bounds = array<i64: 2, 16>, scalar_prefetch = 0 : i64, scratch_operands = 12 : i64, tpu.core_type = #tpu.core_type<sc_vector_subcore>, window_params = [{transform_indices = #map}, {transform_indices = #map1}, {transform_indices = #map}, {transform_indices = #map1}]} {
    %mul3A = arith.constant 2 : i32
    %mul3A_0 = arith.muli %arg1, %mul3A : i32
    %add3A = arith.addi %mul3A_0, %arg0 : i32
    %lt3A = arith.constant 4 : i32
    %lt3A_1 = arith.cmpi slt, %add3A, %lt3A : i32
    %jit3A = arith.constant 1 : i32
    %jit3A_2 = arith.constant 0 : i32
    %select_n3A = arith.select %lt3A_1, %jit3A, %jit3A_2 : i32
    %add3A_3 = arith.constant 78 : i32
    %add3A_4 = arith.addi %add3A_3, %select_n3A : i32
    %mul3A_5 = arith.constant 78 : i32
    %mul3A_6 = arith.muli %add3A, %mul3A_5 : i32
    %min3A = arith.constant 4 : i32
    %min3A_7 = arith.minsi %add3A, %min3A : i32
    %add3A_8 = arith.addi %mul3A_6, %min3A_7 : i32
    %min3A_9 = arith.constant 2421 : i32
    %min3A_10 = arith.minsi %add3A_8, %min3A_9 : i32
    %sub3A = arith.subi %add3A_8, %min3A_10 : i32
    %dma_start3A = arith.constant 0 : i32
    %dma_start3A_11 = arith.constant 0 : i32
    %dma_start3A_12 = tpu.memref_slice %arg3[%dma_start3A, %min3A_10, %dma_start3A_11] : memref<2x2500x128xi32, #tpu.memory_space<hbm>> -> memref<1x79x128xi32, #tpu.memory_space<hbm>>
    %dma_start3A_13 = tpu.memref_squeeze %dma_start3A_12 : memref<1x79x128xi32, #tpu.memory_space<hbm>> -> memref<79x128xi32, #tpu.memory_space<hbm>>
    %dma_start3A_14 = arith.constant 0 : i32
    %dma_start3A_15 = tpu.memref_slice %arg3[%dma_start3A, %min3A_10, %dma_start3A_14] : memref<2x2500x128xi32, #tpu.memory_space<hbm>> -> memref<1x79x128xi32, #tpu.memory_space<hbm>>
    %dma_start3A_16 = tpu.memref_squeeze %dma_start3A_15 : memref<1x79x128xi32, #tpu.memory_space<hbm>> -> memref<79x128xi32, #tpu.memory_space<hbm>>
    tpu.enqueue_dma source(%dma_start3A_16 : memref<79x128xi32, #tpu.memory_space<hbm>>) target(%arg6 : memref<79x128xi32, #tpu.memory_space<vmem>>) target_semaphore(%arg12 : memref<!tpu.dma_semaphore, #tpu.memory_space<semaphore_mem>>)
    %dma_start3A_17 = arith.constant 1 : i32
    %dma_start3A_18 = arith.constant 0 : i32
    %dma_start3A_19 = tpu.memref_slice %arg3[%dma_start3A_17, %min3A_10, %dma_start3A_18] : memref<2x2500x128xi32, #tpu.memory_space<hbm>> -> memref<1x79x128xi32, #tpu.memory_space<hbm>>
    %dma_start3A_20 = tpu.memref_squeeze %dma_start3A_19 : memref<1x79x128xi32, #tpu.memory_space<hbm>> -> memref<79x128xi32, #tpu.memory_space<hbm>>
    %dma_start3A_21 = arith.constant 0 : i32
    %dma_start3A_22 = tpu.memref_slice %arg3[%dma_start3A_17, %min3A_10, %dma_start3A_21] : memref<2x2500x128xi32, #tpu.memory_space<hbm>> -> memref<1x79x128xi32, #tpu.memory_space<hbm>>
    %dma_start3A_23 = tpu.memref_squeeze %dma_start3A_22 : memref<1x79x128xi32, #tpu.memory_space<hbm>> -> memref<79x128xi32, #tpu.memory_space<hbm>>
    tpu.enqueue_dma source(%dma_start3A_23 : memref<79x128xi32, #tpu.memory_space<hbm>>) target(%arg7 : memref<79x128xi32, #tpu.memory_space<vmem>>) target_semaphore(%arg13 : memref<!tpu.dma_semaphore, #tpu.memory_space<semaphore_mem>>)
    %mul3A_24 = arith.constant 320 : i32
    %mul3A_25 = arith.muli %arg1, %mul3A_24 : i32
    "tpu.region"() ({
      %run_scoped3A = tpu.sem_alloc : memref<!tpu.dma_semaphore, #tpu.memory_space<semaphore_mem>>
      %dma_start3A_74 = arith.constant 0 : i32
      %dma_start3A_75 = tpu.memref_slice %arg11[%mul3A_25, %dma_start3A_74] : memref<5120x144xf32, #tpu.memory_space<vmem_shared>> -> memref<320x144xf32, #tpu.memory_space<vmem_shared>>
      %dma_start3A_76 = arith.constant 0 : i32
      %dma_start3A_77 = arith.constant 0 : i32
      %dma_start3A_78 = tpu.memref_slice %arg4[%dma_start3A_76, %dma_start3A_77] : memref<320x144xf32, #tpu.memory_space<hbm>> -> memref<320x144xf32, #tpu.memory_space<hbm>>
      tpu.enqueue_dma source(%dma_start3A_78 : memref<320x144xf32, #tpu.memory_space<hbm>>) target(%dma_start3A_75 : memref<320x144xf32, #tpu.memory_space<vmem_shared>>) target_semaphore(%run_scoped3A : memref<!tpu.dma_semaphore, #tpu.memory_space<semaphore_mem>>)
      %dma_wait3A_79 = arith.constant 0 : i32
      %dma_wait3A_80 = tpu.memref_slice %arg11[%mul3A_25, %dma_wait3A_79] : memref<5120x144xf32, #tpu.memory_space<vmem_shared>> -> memref<320x144xf32, #tpu.memory_space<vmem_shared>>
      %dma_wait3A_81 = arith.constant 0 : i32
      %dma_wait3A_82 = arith.constant 0 : i32
      %dma_wait3A_83 = tpu.memref_slice %arg4[%dma_wait3A_81, %dma_wait3A_82] : memref<320x144xf32, #tpu.memory_space<hbm>> -> memref<320x144xf32, #tpu.memory_space<hbm>>
      tpu.wait_dma2 semaphore(%run_scoped3A : memref<!tpu.dma_semaphore, #tpu.memory_space<semaphore_mem>>) src(%dma_wait3A_83 : memref<320x144xf32, #tpu.memory_space<hbm>>) dst(%dma_wait3A_80 : memref<320x144xf32, #tpu.memory_space<vmem_shared>>)
      tpu.yield
    }) : () -> ()
    %dma_wait3A = arith.constant 0 : i32
    %dma_wait3A_26 = arith.constant 0 : i32
    %dma_wait3A_27 = tpu.memref_slice %arg3[%dma_wait3A, %min3A_10, %dma_wait3A_26] : memref<2x2500x128xi32, #tpu.memory_space<hbm>> -> memref<1x79x128xi32, #tpu.memory_space<hbm>>
    %dma_wait3A_28 = tpu.memref_squeeze %dma_wait3A_27 : memref<1x79x128xi32, #tpu.memory_space<hbm>> -> memref<79x128xi32, #tpu.memory_space<hbm>>
    %dma_wait3A_29 = arith.constant 0 : i32
    %dma_wait3A_30 = tpu.memref_slice %arg3[%dma_wait3A, %min3A_10, %dma_wait3A_29] : memref<2x2500x128xi32, #tpu.memory_space<hbm>> -> memref<1x79x128xi32, #tpu.memory_space<hbm>>
    %dma_wait3A_31 = tpu.memref_squeeze %dma_wait3A_30 : memref<1x79x128xi32, #tpu.memory_space<hbm>> -> memref<79x128xi32, #tpu.memory_space<hbm>>
    tpu.wait_dma2 semaphore(%arg12 : memref<!tpu.dma_semaphore, #tpu.memory_space<semaphore_mem>>) src(%dma_wait3A_31 : memref<79x128xi32, #tpu.memory_space<hbm>>) dst(%arg6 : memref<79x128xi32, #tpu.memory_space<vmem>>)
    %dma_wait3A_32 = arith.constant 1 : i32
    %dma_wait3A_33 = arith.constant 0 : i32
    %dma_wait3A_34 = tpu.memref_slice %arg3[%dma_wait3A_32, %min3A_10, %dma_wait3A_33] : memref<2x2500x128xi32, #tpu.memory_space<hbm>> -> memref<1x79x128xi32, #tpu.memory_space<hbm>>
    %dma_wait3A_35 = tpu.memref_squeeze %dma_wait3A_34 : memref<1x79x128xi32, #tpu.memory_space<hbm>> -> memref<79x128xi32, #tpu.memory_space<hbm>>
    %dma_wait3A_36 = arith.constant 0 : i32
    %dma_wait3A_37 = tpu.memref_slice %arg3[%dma_wait3A_32, %min3A_10, %dma_wait3A_36] : memref<2x2500x128xi32, #tpu.memory_space<hbm>> -> memref<1x79x128xi32, #tpu.memory_space<hbm>>
    %dma_wait3A_38 = tpu.memref_squeeze %dma_wait3A_37 : memref<1x79x128xi32, #tpu.memory_space<hbm>> -> memref<79x128xi32, #tpu.memory_space<hbm>>
    tpu.wait_dma2 semaphore(%arg13 : memref<!tpu.dma_semaphore, #tpu.memory_space<semaphore_mem>>) src(%dma_wait3A_38 : memref<79x128xi32, #tpu.memory_space<hbm>>) dst(%arg7 : memref<79x128xi32, #tpu.memory_space<vmem>>)
    %barrier3A = arith.constant 0 : index
    tpu.barrier barrier_id(%barrier3A)
    %gt3A = arith.constant 0 : i32
    %gt3A_39 = arith.cmpi sgt, %add3A_4, %gt3A : i32
    %convert_element_type3A = arith.extui %gt3A_39 : i1 to i32
    %cond3A = arith.constant 0 : i32
    %cond3A_40 = arith.cmpi ne, %convert_element_type3A, %cond3A : i32
    scf.if %cond3A_40 {
      %add3A_74 = arith.constant 0 : i32
      %add3A_75 = arith.addi %sub3A, %add3A_74 : i32
      %dma_start3A_76 = arith.constant 0 : i32
      %dma_start3A_77 = tpu.memref_slice %arg6[%add3A_75, %dma_start3A_76] : memref<79x128xi32, #tpu.memory_space<vmem>> -> memref<1x128xi32, #tpu.memory_space<vmem>>
      %dma_start3A_78 = tpu.memref_squeeze %dma_start3A_77 : memref<1x128xi32, #tpu.memory_space<vmem>> -> memref<128xi32, #tpu.memory_space<vmem>>
      %dma_start3A_79 = arith.constant 0 : i32
      %dma_start3A_80 = arith.constant 0 : i32
      %dma_start3A_81 = tpu.memref_slice %arg2[%dma_start3A_79, %dma_start3A_80] : memref<10000x144xf32, #tpu.memory_space<hbm>> -> memref<10000x144xf32, #tpu.memory_space<hbm>>
      tpu.enqueue_indirect_dma source(%dma_start3A_81 : memref<10000x144xf32, #tpu.memory_space<hbm>>) target(%arg8 : memref<128x144xf32, #tpu.memory_space<vmem>>) offsets(%dma_start3A_78 : memref<128xi32, #tpu.memory_space<vmem>>) semaphore(%arg12 : memref<!tpu.dma_semaphore, #tpu.memory_space<semaphore_mem>>)
    } else {
    }
    %gt3A_41 = arith.constant 1 : i32
    %gt3A_42 = arith.cmpi sgt, %add3A_4, %gt3A_41 : i32
    %convert_element_type3A_43 = arith.extui %gt3A_42 : i1 to i32
    %cond3A_44 = arith.constant 0 : i32
    %cond3A_45 = arith.cmpi ne, %convert_element_type3A_43, %cond3A_44 : i32
    scf.if %cond3A_45 {
      %add3A_74 = arith.constant 1 : i32
      %add3A_75 = arith.addi %sub3A, %add3A_74 : i32
      %dma_start3A_76 = arith.constant 0 : i32
      %dma_start3A_77 = tpu.memref_slice %arg6[%add3A_75, %dma_start3A_76] : memref<79x128xi32, #tpu.memory_space<vmem>> -> memref<1x128xi32, #tpu.memory_space<vmem>>
      %dma_start3A_78 = tpu.memref_squeeze %dma_start3A_77 : memref<1x128xi32, #tpu.memory_space<vmem>> -> memref<128xi32, #tpu.memory_space<vmem>>
      %dma_start3A_79 = arith.constant 0 : i32
      %dma_start3A_80 = arith.constant 0 : i32
      %dma_start3A_81 = tpu.memref_slice %arg2[%dma_start3A_79, %dma_start3A_80] : memref<10000x144xf32, #tpu.memory_space<hbm>> -> memref<10000x144xf32, #tpu.memory_space<hbm>>
      tpu.enqueue_indirect_dma source(%dma_start3A_81 : memref<10000x144xf32, #tpu.memory_space<hbm>>) target(%arg9 : memref<128x144xf32, #tpu.memory_space<vmem>>) offsets(%dma_start3A_78 : memref<128xi32, #tpu.memory_space<vmem>>) semaphore(%arg13 : memref<!tpu.dma_semaphore, #tpu.memory_space<semaphore_mem>>)
    } else {
    }
    %scan3A = arith.constant 0 : i32
    %scan3A_46 = arith.constant 0 : i32
    %scan3A_47 = arith.constant 27 : i32
    %scan3A_48 = arith.addi %scan3A_46, %scan3A_47 : i32
    %scan3A_49 = arith.constant 1 : i32
    %scan3A_50 = scf.for %scan3A_74 = %scan3A_46 to %scan3A_48 step %scan3A_49 iter_args(%scan3A_75 = %scan3A) -> (i32)  : i32 {
      %mul3A_76 = arith.constant 3 : i32
      %mul3A_77 = arith.muli %mul3A_76, %scan3A_74 : i32
      %add3A_78 = arith.constant 0 : i32
      %add3A_79 = arith.addi %mul3A_77, %add3A_78 : i32
      %lt3A_80 = arith.cmpi slt, %add3A_79, %add3A_4 : i32
      %convert_element_type3A_81 = arith.extui %lt3A_80 : i1 to i32
      %cond3A_82 = arith.constant 0 : i32
      %cond3A_83 = arith.cmpi ne, %convert_element_type3A_81, %cond3A_82 : i32
      scf.if %cond3A_83 {
        %dma_wait3A_115 = arith.constant 0 : i32
        %dma_wait3A_116 = arith.constant 0 : i32
        %dma_wait3A_117 = tpu.memref_slice %arg2[%dma_wait3A_115, %dma_wait3A_116] : memref<10000x144xf32, #tpu.memory_space<hbm>> -> memref<128x144xf32, #tpu.memory_space<hbm>>
        %dma_wait3A_118 = arith.constant 0 : i32
        %dma_wait3A_119 = arith.constant 0 : i32
        %dma_wait3A_120 = tpu.memref_slice %arg2[%dma_wait3A_118, %dma_wait3A_119] : memref<10000x144xf32, #tpu.memory_space<hbm>> -> memref<128x144xf32, #tpu.memory_space<hbm>>
        tpu.wait_dma2 semaphore(%arg12 : memref<!tpu.dma_semaphore, #tpu.memory_space<semaphore_mem>>) src(%dma_wait3A_120 : memref<128x144xf32, #tpu.memory_space<hbm>>) dst(%arg8 : memref<128x144xf32, #tpu.memory_space<vmem>>)
        %add3A_121 = arith.addi %sub3A, %add3A_79 : i32
        %dma_start3A_122 = arith.constant 0 : i32
        %dma_start3A_123 = tpu.memref_slice %arg7[%add3A_121, %dma_start3A_122] : memref<79x128xi32, #tpu.memory_space<vmem>> -> memref<1x128xi32, #tpu.memory_space<vmem>>
        %dma_start3A_124 = tpu.memref_squeeze %dma_start3A_123 : memref<1x128xi32, #tpu.memory_space<vmem>> -> memref<128xi32, #tpu.memory_space<vmem>>
        %dma_start3A_125 = arith.constant 0 : i32
        %dma_start3A_126 = arith.constant 0 : i32
        %dma_start3A_127 = tpu.memref_slice %arg11[%dma_start3A_125, %dma_start3A_126] : memref<5120x144xf32, #tpu.memory_space<vmem_shared>> -> memref<5120x144xf32, #tpu.memory_space<vmem_shared>>
        tpu.enqueue_indirect_dma source(%arg8 : memref<128x144xf32, #tpu.memory_space<vmem>>) target(%dma_start3A_127 : memref<5120x144xf32, #tpu.memory_space<vmem_shared>>) offsets(%dma_start3A_124 : memref<128xi32, #tpu.memory_space<vmem>>) semaphore(%arg15 : memref<!tpu.dma_semaphore, #tpu.memory_space<semaphore_mem>>) {add = true}
      } else {
      }
      %add3A_84 = arith.constant 2 : i32
      %add3A_85 = arith.addi %add3A_79, %add3A_84 : i32
      %lt3A_86 = arith.cmpi slt, %add3A_85, %add3A_4 : i32
      %convert_element_type3A_87 = arith.extui %lt3A_86 : i1 to i32
      %cond3A_88 = arith.constant 0 : i32
      %cond3A_89 = arith.cmpi ne, %convert_element_type3A_87, %cond3A_88 : i32
      scf.if %cond3A_89 {
        %ge3A = arith.constant 3 : i32
        %ge3A_115 = arith.cmpi sge, %add3A_85, %ge3A : i32
        %convert_element_type3A_116 = arith.extui %ge3A_115 : i1 to i32
        %cond3A_117 = arith.constant 0 : i32
        %cond3A_118 = arith.cmpi ne, %convert_element_type3A_116, %cond3A_117 : i32
        scf.if %cond3A_118 {
          %dma_wait3A_126 = arith.constant 0 : i32
          %dma_wait3A_127 = arith.constant 0 : i32
          %dma_wait3A_128 = tpu.memref_slice %arg11[%dma_wait3A_126, %dma_wait3A_127] : memref<5120x144xf32, #tpu.memory_space<vmem_shared>> -> memref<128x144xf32, #tpu.memory_space<vmem_shared>>
          %dma_wait3A_129 = arith.constant 0 : i32
          %dma_wait3A_130 = arith.constant 0 : i32
          %dma_wait3A_131 = tpu.memref_slice %arg11[%dma_wait3A_129, %dma_wait3A_130] : memref<5120x144xf32, #tpu.memory_space<vmem_shared>> -> memref<128x144xf32, #tpu.memory_space<vmem_shared>>
          tpu.wait_dma2 semaphore(%arg17 : memref<!tpu.dma_semaphore, #tpu.memory_space<semaphore_mem>>) src(%arg10 : memref<128x144xf32, #tpu.memory_space<vmem>>) dst(%dma_wait3A_131 : memref<128x144xf32, #tpu.memory_space<vmem_shared>>)
        } else {
        }
        %add3A_119 = arith.addi %sub3A, %add3A_85 : i32
        %dma_start3A_120 = arith.constant 0 : i32
        %dma_start3A_121 = tpu.memref_slice %arg6[%add3A_119, %dma_start3A_120] : memref<79x128xi32, #tpu.memory_space<vmem>> -> memref<1x128xi32, #tpu.memory_space<vmem>>
        %dma_start3A_122 = tpu.memref_squeeze %dma_start3A_121 : memref<1x128xi32, #tpu.memory_space<vmem>> -> memref<128xi32, #tpu.memory_space<vmem>>
        %dma_start3A_123 = arith.constant 0 : i32
        %dma_start3A_124 = arith.constant 0 : i32
        %dma_start3A_125 = tpu.memref_slice %arg2[%dma_start3A_123, %dma_start3A_124] : memref<10000x144xf32, #tpu.memory_space<hbm>> -> memref<10000x144xf32, #tpu.memory_space<hbm>>
        tpu.enqueue_indirect_dma source(%dma_start3A_125 : memref<10000x144xf32, #tpu.memory_space<hbm>>) target(%arg10 : memref<128x144xf32, #tpu.memory_space<vmem>>) offsets(%dma_start3A_122 : memref<128xi32, #tpu.memory_space<vmem>>) semaphore(%arg14 : memref<!tpu.dma_semaphore, #tpu.memory_space<semaphore_mem>>)
      } else {
      }
      %add3A_90 = arith.constant 1 : i32
      %add3A_91 = arith.addi %mul3A_77, %add3A_90 : i32
      %lt3A_92 = arith.cmpi slt, %add3A_91, %add3A_4 : i32
      %convert_element_type3A_93 = arith.extui %lt3A_92 : i1 to i32
      %cond3A_94 = arith.constant 0 : i32
      %cond3A_95 = arith.cmpi ne, %convert_element_type3A_93, %cond3A_94 : i32
      scf.if %cond3A_95 {
        %dma_wait3A_115 = arith.constant 0 : i32
        %dma_wait3A_116 = arith.constant 0 : i32
        %dma_wait3A_117 = tpu.memref_slice %arg2[%dma_wait3A_115, %dma_wait3A_116] : memref<10000x144xf32, #tpu.memory_space<hbm>> -> memref<128x144xf32, #tpu.memory_space<hbm>>
        %dma_wait3A_118 = arith.constant 0 : i32
        %dma_wait3A_119 = arith.constant 0 : i32
        %dma_wait3A_120 = tpu.memref_slice %arg2[%dma_wait3A_118, %dma_wait3A_119] : memref<10000x144xf32, #tpu.memory_space<hbm>> -> memref<128x144xf32, #tpu.memory_space<hbm>>
        tpu.wait_dma2 semaphore(%arg13 : memref<!tpu.dma_semaphore, #tpu.memory_space<semaphore_mem>>) src(%dma_wait3A_120 : memref<128x144xf32, #tpu.memory_space<hbm>>) dst(%arg9 : memref<128x144xf32, #tpu.memory_space<vmem>>)
        %add3A_121 = arith.addi %sub3A, %add3A_91 : i32
        %dma_start3A_122 = arith.constant 0 : i32
        %dma_start3A_123 = tpu.memref_slice %arg7[%add3A_121, %dma_start3A_122] : memref<79x128xi32, #tpu.memory_space<vmem>> -> memref<1x128xi32, #tpu.memory_space<vmem>>
        %dma_start3A_124 = tpu.memref_squeeze %dma_start3A_123 : memref<1x128xi32, #tpu.memory_space<vmem>> -> memref<128xi32, #tpu.memory_space<vmem>>
        %dma_start3A_125 = arith.constant 0 : i32
        %dma_start3A_126 = arith.constant 0 : i32
        %dma_start3A_127 = tpu.memref_slice %arg11[%dma_start3A_125, %dma_start3A_126] : memref<5120x144xf32, #tpu.memory_space<vmem_shared>> -> memref<5120x144xf32, #tpu.memory_space<vmem_shared>>
        tpu.enqueue_indirect_dma source(%arg9 : memref<128x144xf32, #tpu.memory_space<vmem>>) target(%dma_start3A_127 : memref<5120x144xf32, #tpu.memory_space<vmem_shared>>) offsets(%dma_start3A_124 : memref<128xi32, #tpu.memory_space<vmem>>) semaphore(%arg16 : memref<!tpu.dma_semaphore, #tpu.memory_space<semaphore_mem>>) {add = true}
      } else {
      }
      %add3A_96 = arith.constant 2 : i32
      %add3A_97 = arith.addi %add3A_91, %add3A_96 : i32
      %lt3A_98 = arith.cmpi slt, %add3A_97, %add3A_4 : i32
      %convert_element_type3A_99 = arith.extui %lt3A_98 : i1 to i32
      %cond3A_100 = arith.constant 0 : i32
      %cond3A_101 = arith.cmpi ne, %convert_element_type3A_99, %cond3A_100 : i32
      scf.if %cond3A_101 {
        %ge3A = arith.constant 3 : i32
        %ge3A_115 = arith.cmpi sge, %add3A_97, %ge3A : i32
        %convert_element_type3A_116 = arith.extui %ge3A_115 : i1 to i32
        %cond3A_117 = arith.constant 0 : i32
        %cond3A_118 = arith.cmpi ne, %convert_element_type3A_116, %cond3A_117 : i32
        scf.if %cond3A_118 {
          %dma_wait3A_126 = arith.constant 0 : i32
          %dma_wait3A_127 = arith.constant 0 : i32
          %dma_wait3A_128 = tpu.memref_slice %arg11[%dma_wait3A_126, %dma_wait3A_127] : memref<5120x144xf32, #tpu.memory_space<vmem_shared>> -> memref<128x144xf32, #tpu.memory_space<vmem_shared>>
          %dma_wait3A_129 = arith.constant 0 : i32
          %dma_wait3A_130 = arith.constant 0 : i32
          %dma_wait3A_131 = tpu.memref_slice %arg11[%dma_wait3A_129, %dma_wait3A_130] : memref<5120x144xf32, #tpu.memory_space<vmem_shared>> -> memref<128x144xf32, #tpu.memory_space<vmem_shared>>
          tpu.wait_dma2 semaphore(%arg15 : memref<!tpu.dma_semaphore, #tpu.memory_space<semaphore_mem>>) src(%arg8 : memref<128x144xf32, #tpu.memory_space<vmem>>) dst(%dma_wait3A_131 : memref<128x144xf32, #tpu.memory_space<vmem_shared>>)
        } else {
        }
        %add3A_119 = arith.addi %sub3A, %add3A_97 : i32
        %dma_start3A_120 = arith.constant 0 : i32
        %dma_start3A_121 = tpu.memref_slice %arg6[%add3A_119, %dma_start3A_120] : memref<79x128xi32, #tpu.memory_space<vmem>> -> memref<1x128xi32, #tpu.memory_space<vmem>>
        %dma_start3A_122 = tpu.memref_squeeze %dma_start3A_121 : memref<1x128xi32, #tpu.memory_space<vmem>> -> memref<128xi32, #tpu.memory_space<vmem>>
        %dma_start3A_123 = arith.constant 0 : i32
        %dma_start3A_124 = arith.constant 0 : i32
        %dma_start3A_125 = tpu.memref_slice %arg2[%dma_start3A_123, %dma_start3A_124] : memref<10000x144xf32, #tpu.memory_space<hbm>> -> memref<10000x144xf32, #tpu.memory_space<hbm>>
        tpu.enqueue_indirect_dma source(%dma_start3A_125 : memref<10000x144xf32, #tpu.memory_space<hbm>>) target(%arg8 : memref<128x144xf32, #tpu.memory_space<vmem>>) offsets(%dma_start3A_122 : memref<128xi32, #tpu.memory_space<vmem>>) semaphore(%arg12 : memref<!tpu.dma_semaphore, #tpu.memory_space<semaphore_mem>>)
      } else {
      }
      %add3A_102 = arith.constant 2 : i32
      %add3A_103 = arith.addi %mul3A_77, %add3A_102 : i32
      %lt3A_104 = arith.cmpi slt, %add3A_103, %add3A_4 : i32
      %convert_element_type3A_105 = arith.extui %lt3A_104 : i1 to i32
      %cond3A_106 = arith.constant 0 : i32
      %cond3A_107 = arith.cmpi ne, %convert_element_type3A_105, %cond3A_106 : i32
      scf.if %cond3A_107 {
        %dma_wait3A_115 = arith.constant 0 : i32
        %dma_wait3A_116 = arith.constant 0 : i32
        %dma_wait3A_117 = tpu.memref_slice %arg2[%dma_wait3A_115, %dma_wait3A_116] : memref<10000x144xf32, #tpu.memory_space<hbm>> -> memref<128x144xf32, #tpu.memory_space<hbm>>
        %dma_wait3A_118 = arith.constant 0 : i32
        %dma_wait3A_119 = arith.constant 0 : i32
        %dma_wait3A_120 = tpu.memref_slice %arg2[%dma_wait3A_118, %dma_wait3A_119] : memref<10000x144xf32, #tpu.memory_space<hbm>> -> memref<128x144xf32, #tpu.memory_space<hbm>>
        tpu.wait_dma2 semaphore(%arg14 : memref<!tpu.dma_semaphore, #tpu.memory_space<semaphore_mem>>) src(%dma_wait3A_120 : memref<128x144xf32, #tpu.memory_space<hbm>>) dst(%arg10 : memref<128x144xf32, #tpu.memory_space<vmem>>)
        %add3A_121 = arith.addi %sub3A, %add3A_103 : i32
        %dma_start3A_122 = arith.constant 0 : i32
        %dma_start3A_123 = tpu.memref_slice %arg7[%add3A_121, %dma_start3A_122] : memref<79x128xi32, #tpu.memory_space<vmem>> -> memref<1x128xi32, #tpu.memory_space<vmem>>
        %dma_start3A_124 = tpu.memref_squeeze %dma_start3A_123 : memref<1x128xi32, #tpu.memory_space<vmem>> -> memref<128xi32, #tpu.memory_space<vmem>>
        %dma_start3A_125 = arith.constant 0 : i32
        %dma_start3A_126 = arith.constant 0 : i32
        %dma_start3A_127 = tpu.memref_slice %arg11[%dma_start3A_125, %dma_start3A_126] : memref<5120x144xf32, #tpu.memory_space<vmem_shared>> -> memref<5120x144xf32, #tpu.memory_space<vmem_shared>>
        tpu.enqueue_indirect_dma source(%arg10 : memref<128x144xf32, #tpu.memory_space<vmem>>) target(%dma_start3A_127 : memref<5120x144xf32, #tpu.memory_space<vmem_shared>>) offsets(%dma_start3A_124 : memref<128xi32, #tpu.memory_space<vmem>>) semaphore(%arg17 : memref<!tpu.dma_semaphore, #tpu.memory_space<semaphore_mem>>) {add = true}
      } else {
      }
      %add3A_108 = arith.constant 2 : i32
      %add3A_109 = arith.addi %add3A_103, %add3A_108 : i32
      %lt3A_110 = arith.cmpi slt, %add3A_109, %add3A_4 : i32
      %convert_element_type3A_111 = arith.extui %lt3A_110 : i1 to i32
      %cond3A_112 = arith.constant 0 : i32
      %cond3A_113 = arith.cmpi ne, %convert_element_type3A_111, %cond3A_112 : i32
      scf.if %cond3A_113 {
        %ge3A = arith.constant 3 : i32
        %ge3A_115 = arith.cmpi sge, %add3A_109, %ge3A : i32
        %convert_element_type3A_116 = arith.extui %ge3A_115 : i1 to i32
        %cond3A_117 = arith.constant 0 : i32
        %cond3A_118 = arith.cmpi ne, %convert_element_type3A_116, %cond3A_117 : i32
        scf.if %cond3A_118 {
          %dma_wait3A_126 = arith.constant 0 : i32
          %dma_wait3A_127 = arith.constant 0 : i32
          %dma_wait3A_128 = tpu.memref_slice %arg11[%dma_wait3A_126, %dma_wait3A_127] : memref<5120x144xf32, #tpu.memory_space<vmem_shared>> -> memref<128x144xf32, #tpu.memory_space<vmem_shared>>
          %dma_wait3A_129 = arith.constant 0 : i32
          %dma_wait3A_130 = arith.constant 0 : i32
          %dma_wait3A_131 = tpu.memref_slice %arg11[%dma_wait3A_129, %dma_wait3A_130] : memref<5120x144xf32, #tpu.memory_space<vmem_shared>> -> memref<128x144xf32, #tpu.memory_space<vmem_shared>>
          tpu.wait_dma2 semaphore(%arg16 : memref<!tpu.dma_semaphore, #tpu.memory_space<semaphore_mem>>) src(%arg9 : memref<128x144xf32, #tpu.memory_space<vmem>>) dst(%dma_wait3A_131 : memref<128x144xf32, #tpu.memory_space<vmem_shared>>)
        } else {
        }
        %add3A_119 = arith.addi %sub3A, %add3A_109 : i32
        %dma_start3A_120 = arith.constant 0 : i32
        %dma_start3A_121 = tpu.memref_slice %arg6[%add3A_119, %dma_start3A_120] : memref<79x128xi32, #tpu.memory_space<vmem>> -> memref<1x128xi32, #tpu.memory_space<vmem>>
        %dma_start3A_122 = tpu.memref_squeeze %dma_start3A_121 : memref<1x128xi32, #tpu.memory_space<vmem>> -> memref<128xi32, #tpu.memory_space<vmem>>
        %dma_start3A_123 = arith.constant 0 : i32
        %dma_start3A_124 = arith.constant 0 : i32
        %dma_start3A_125 = tpu.memref_slice %arg2[%dma_start3A_123, %dma_start3A_124] : memref<10000x144xf32, #tpu.memory_space<hbm>> -> memref<10000x144xf32, #tpu.memory_space<hbm>>
        tpu.enqueue_indirect_dma source(%dma_start3A_125 : memref<10000x144xf32, #tpu.memory_space<hbm>>) target(%arg9 : memref<128x144xf32, #tpu.memory_space<vmem>>) offsets(%dma_start3A_122 : memref<128xi32, #tpu.memory_space<vmem>>) semaphore(%arg13 : memref<!tpu.dma_semaphore, #tpu.memory_space<semaphore_mem>>)
      } else {
      }
      %scan3A_114 = arith.constant 0 : i32
      scf.yield %scan3A_114 : i32
    }
    %scan3A_51 = arith.constant 27 : i32
    %min3A_52 = arith.constant 3 : i32
    %min3A_53 = arith.minsi %add3A_4, %min3A_52 : i32
    %gt3A_54 = arith.constant 0 : i32
    %gt3A_55 = arith.cmpi sgt, %min3A_53, %gt3A_54 : i32
    %convert_element_type3A_56 = arith.extui %gt3A_55 : i1 to i32
    %cond3A_57 = arith.constant 0 : i32
    %cond3A_58 = arith.cmpi ne, %convert_element_type3A_56, %cond3A_57 : i32
    scf.if %cond3A_58 {
      %dma_wait3A_74 = arith.constant 0 : i32
      %dma_wait3A_75 = arith.constant 0 : i32
      %dma_wait3A_76 = tpu.memref_slice %arg11[%dma_wait3A_74, %dma_wait3A_75] : memref<5120x144xf32, #tpu.memory_space<vmem_shared>> -> memref<128x144xf32, #tpu.memory_space<vmem_shared>>
      %dma_wait3A_77 = arith.constant 0 : i32
      %dma_wait3A_78 = arith.constant 0 : i32
      %dma_wait3A_79 = tpu.memref_slice %arg11[%dma_wait3A_77, %dma_wait3A_78] : memref<5120x144xf32, #tpu.memory_space<vmem_shared>> -> memref<128x144xf32, #tpu.memory_space<vmem_shared>>
      tpu.wait_dma2 semaphore(%arg15 : memref<!tpu.dma_semaphore, #tpu.memory_space<semaphore_mem>>) src(%arg8 : memref<128x144xf32, #tpu.memory_space<vmem>>) dst(%dma_wait3A_79 : memref<128x144xf32, #tpu.memory_space<vmem_shared>>)
    } else {
    }
    %min3A_59 = arith.constant 3 : i32
    %min3A_60 = arith.minsi %add3A_4, %min3A_59 : i32
    %gt3A_61 = arith.constant 1 : i32
    %gt3A_62 = arith.cmpi sgt, %min3A_60, %gt3A_61 : i32
    %convert_element_type3A_63 = arith.extui %gt3A_62 : i1 to i32
    %cond3A_64 = arith.constant 0 : i32
    %cond3A_65 = arith.cmpi ne, %convert_element_type3A_63, %cond3A_64 : i32
    scf.if %cond3A_65 {
      %dma_wait3A_74 = arith.constant 0 : i32
      %dma_wait3A_75 = arith.constant 0 : i32
      %dma_wait3A_76 = tpu.memref_slice %arg11[%dma_wait3A_74, %dma_wait3A_75] : memref<5120x144xf32, #tpu.memory_space<vmem_shared>> -> memref<128x144xf32, #tpu.memory_space<vmem_shared>>
      %dma_wait3A_77 = arith.constant 0 : i32
      %dma_wait3A_78 = arith.constant 0 : i32
      %dma_wait3A_79 = tpu.memref_slice %arg11[%dma_wait3A_77, %dma_wait3A_78] : memref<5120x144xf32, #tpu.memory_space<vmem_shared>> -> memref<128x144xf32, #tpu.memory_space<vmem_shared>>
      tpu.wait_dma2 semaphore(%arg16 : memref<!tpu.dma_semaphore, #tpu.memory_space<semaphore_mem>>) src(%arg9 : memref<128x144xf32, #tpu.memory_space<vmem>>) dst(%dma_wait3A_79 : memref<128x144xf32, #tpu.memory_space<vmem_shared>>)
    } else {
    }
    %min3A_66 = arith.constant 3 : i32
    %min3A_67 = arith.minsi %add3A_4, %min3A_66 : i32
    %gt3A_68 = arith.constant 2 : i32
    %gt3A_69 = arith.cmpi sgt, %min3A_67, %gt3A_68 : i32
    %convert_element_type3A_70 = arith.extui %gt3A_69 : i1 to i32
    %cond3A_71 = arith.constant 0 : i32
    %cond3A_72 = arith.cmpi ne, %convert_element_type3A_70, %cond3A_71 : i32
    scf.if %cond3A_72 {
      %dma_wait3A_74 = arith.constant 0 : i32
      %dma_wait3A_75 = arith.constant 0 : i32
      %dma_wait3A_76 = tpu.memref_slice %arg11[%dma_wait3A_74, %dma_wait3A_75] : memref<5120x144xf32, #tpu.memory_space<vmem_shared>> -> memref<128x144xf32, #tpu.memory_space<vmem_shared>>
      %dma_wait3A_77 = arith.constant 0 : i32
      %dma_wait3A_78 = arith.constant 0 : i32
      %dma_wait3A_79 = tpu.memref_slice %arg11[%dma_wait3A_77, %dma_wait3A_78] : memref<5120x144xf32, #tpu.memory_space<vmem_shared>> -> memref<128x144xf32, #tpu.memory_space<vmem_shared>>
      tpu.wait_dma2 semaphore(%arg17 : memref<!tpu.dma_semaphore, #tpu.memory_space<semaphore_mem>>) src(%arg10 : memref<128x144xf32, #tpu.memory_space<vmem>>) dst(%dma_wait3A_79 : memref<128x144xf32, #tpu.memory_space<vmem_shared>>)
    } else {
    }
    %barrier3A_73 = arith.constant 0 : index
    tpu.barrier barrier_id(%barrier3A_73)
    "tpu.region"() ({
      %run_scoped3A = tpu.sem_alloc : memref<!tpu.dma_semaphore, #tpu.memory_space<semaphore_mem>>
      %dma_start3A_74 = arith.constant 0 : i32
      %dma_start3A_75 = tpu.memref_slice %arg5[%arg0, %mul3A_25, %dma_start3A_74] : memref<2x5120x144xf32, #tpu.memory_space<hbm>> -> memref<1x320x144xf32, #tpu.memory_space<hbm>>
      %dma_start3A_76 = tpu.memref_squeeze %dma_start3A_75 : memref<1x320x144xf32, #tpu.memory_space<hbm>> -> memref<320x144xf32, #tpu.memory_space<hbm>>
      %dma_start3A_77 = arith.constant 0 : i32
      %dma_start3A_78 = tpu.memref_slice %arg11[%mul3A_25, %dma_start3A_77] : memref<5120x144xf32, #tpu.memory_space<vmem_shared>> -> memref<320x144xf32, #tpu.memory_space<vmem_shared>>
      tpu.enqueue_dma source(%dma_start3A_78 : memref<320x144xf32, #tpu.memory_space<vmem_shared>>) target(%dma_start3A_76 : memref<320x144xf32, #tpu.memory_space<hbm>>) target_semaphore(%run_scoped3A : memref<!tpu.dma_semaphore, #tpu.memory_space<semaphore_mem>>)
      %dma_wait3A_79 = arith.constant 0 : i32
      %dma_wait3A_80 = tpu.memref_slice %arg5[%arg0, %mul3A_25, %dma_wait3A_79] : memref<2x5120x144xf32, #tpu.memory_space<hbm>> -> memref<1x320x144xf32, #tpu.memory_space<hbm>>
      %dma_wait3A_81 = tpu.memref_squeeze %dma_wait3A_80 : memref<1x320x144xf32, #tpu.memory_space<hbm>> -> memref<320x144xf32, #tpu.memory_space<hbm>>
      %dma_wait3A_82 = arith.constant 0 : i32
      %dma_wait3A_83 = tpu.memref_slice %arg11[%mul3A_25, %dma_wait3A_82] : memref<5120x144xf32, #tpu.memory_space<vmem_shared>> -> memref<320x144xf32, #tpu.memory_space<vmem_shared>>
      tpu.wait_dma2 semaphore(%run_scoped3A : memref<!tpu.dma_semaphore, #tpu.memory_space<semaphore_mem>>) src(%dma_wait3A_83 : memref<320x144xf32, #tpu.memory_space<vmem_shared>>) dst(%dma_wait3A_81 : memref<320x144xf32, #tpu.memory_space<hbm>>)
      tpu.yield
    }) : () -> ()
    return
  }
}

module attributes {stable_mosaic.version = 14 : i64} {
  func.func @_tc_layer1(%arg0: i32, %arg1: memref<2x5120x144xf32, #tpu.memory_space<vmem>>, %arg2: memref<5000x128xf32, #tpu.memory_space<vmem>>, %arg3: memref<128x260xf32, #tpu.memory_space<vmem>>, %arg4: memref<260xf32, #tpu.memory_space<vmem>>, %arg5: memref<128x260xf32, #tpu.memory_space<vmem>>, %arg6: memref<260x128xf32, #tpu.memory_space<vmem>>, %arg7: memref<5000x260xf32, #tpu.memory_space<vmem>>, %arg8: memref<5000x144xf32, #tpu.memory_space<vmem>>) attributes {dimension_semantics = [#tpu.dimension_semantics<arbitrary>], iteration_bounds = array<i64: 1>, scalar_prefetch = 0 : i64, scratch_operands = 0 : i64, tpu.core_type = #tpu.core_type<tc>, window_params = [{pipeline_mode = #tpu.pipeline_mode<synchronous>, transform_indices = @transform_0, window_bounds = array<i64: 2, 5120, 144>}, {transform_indices = @transform_1, window_bounds = array<i64: 5000, 128>}, {pipeline_mode = #tpu.pipeline_mode<synchronous>, transform_indices = @transform_2, window_bounds = array<i64: 128, 260>}, {pipeline_mode = #tpu.pipeline_mode<synchronous>, transform_indices = @transform_3, window_bounds = array<i64: 260>}, {pipeline_mode = #tpu.pipeline_mode<synchronous>, transform_indices = @transform_4, window_bounds = array<i64: 128, 260>}, {pipeline_mode = #tpu.pipeline_mode<synchronous>, transform_indices = @transform_5, window_bounds = array<i64: 260, 128>}, {pipeline_mode = #tpu.pipeline_mode<synchronous>, transform_indices = @transform_6, window_bounds = array<i64: 5000, 260>}, {pipeline_mode = #tpu.pipeline_mode<synchronous>, transform_indices = @transform_7, window_bounds = array<i64: 5000, 144>}]} {
    %get3A = arith.constant 0 : index
    %get3A_0 = arith.constant 0 : index
    %get3A_1 = arith.constant 0 : index
    %get3A_2 = vector.load %arg1[%get3A, %get3A_0, %get3A_1] : memref<2x5120x144xf32, #tpu.memory_space<vmem>>, vector<1x5120x144xf32>
    %get3A_3 = vector.shape_cast %get3A_2 : vector<1x5120x144xf32> to vector<5120x144xf32>
    %get3A_4 = arith.constant 1 : index
    %get3A_5 = arith.constant 0 : index
    %get3A_6 = arith.constant 0 : index
    %get3A_7 = vector.load %arg1[%get3A_4, %get3A_5, %get3A_6] : memref<2x5120x144xf32, #tpu.memory_space<vmem>>, vector<1x5120x144xf32>
    %get3A_8 = vector.shape_cast %get3A_7 : vector<1x5120x144xf32> to vector<5120x144xf32>
    %add3A = arith.addf %get3A_3, %get3A_8 : vector<5120x144xf32>
    %slice3A = vector.extract_strided_slice %add3A {offsets = [0, 0], sizes = [5000, 144], strides = [1, 1]} : vector<5120x144xf32> to vector<5000x144xf32>
    %slice3A_9 = vector.extract_strided_slice %slice3A {offsets = [0, 128], sizes = [5000, 1], strides = [1, 1]} : vector<5000x144xf32> to vector<5000x1xf32>
    %squeeze3A = vector.shape_cast %slice3A_9 : vector<5000x1xf32> to vector<5000xf32>
    %slice3A_10 = vector.extract_strided_slice %slice3A {offsets = [0, 0], sizes = [5000, 128], strides = [1, 1]} : vector<5000x144xf32> to vector<5000x128xf32>
    %max3A = arith.constant 1.000000e+00 : f32
    %max3A_11 = vector.broadcast %max3A : f32 to vector<5000xf32>
    %max3A_12 = arith.maximumf %squeeze3A, %max3A_11 : vector<5000xf32>
    %broadcast_in_dim3A = vector.shape_cast %max3A_12 : vector<5000xf32> to vector<5000x1xf32>
    %div3A = vector.broadcast %broadcast_in_dim3A : vector<5000x1xf32> to vector<5000x128xf32>
    %div3A_13 = arith.divf %slice3A_10, %div3A : vector<5000x128xf32>
    %get3A_14 = arith.constant 0 : index
    %get3A_15 = arith.constant 0 : index
    %get3A_16 = vector.load %arg3[%get3A_14, %get3A_15] : memref<128x260xf32, #tpu.memory_space<vmem>>, vector<128x260xf32>
    %dot_general3A = arith.constant dense<0.000000e+00> : vector<5000x260xf32>
    %dot_general3A_17 = tpu.matmul %div3A_13, %get3A_16, %dot_general3A {dimension_numbers = #tpu.dot_dimension_numbers<[1], [0], [0], [1], [0, 0, 1, 1], [], []>, transpose_lhs_hint = false} : vector<5000x128xf32>, vector<128x260xf32>, vector<5000x260xf32> -> vector<5000x260xf32>
    %get3A_18 = arith.constant 0 : index
    %get3A_19 = vector.load %arg4[%get3A_18] : memref<260xf32, #tpu.memory_space<vmem>>, vector<260xf32>
    %broadcast_in_dim3A_20 = vector.shape_cast %get3A_19 : vector<260xf32> to vector<1x260xf32>
    %add3A_21 = vector.broadcast %broadcast_in_dim3A_20 : vector<1x260xf32> to vector<5000x260xf32>
    %add3A_22 = arith.addf %dot_general3A_17, %add3A_21 : vector<5000x260xf32>
    %get3A_23 = arith.constant 0 : index
    %get3A_24 = arith.constant 0 : index
    %get3A_25 = vector.load %arg2[%get3A_23, %get3A_24] : memref<5000x128xf32, #tpu.memory_space<vmem>>, vector<5000x128xf32>
    %get3A_26 = arith.constant 0 : index
    %get3A_27 = arith.constant 0 : index
    %get3A_28 = vector.load %arg5[%get3A_26, %get3A_27] : memref<128x260xf32, #tpu.memory_space<vmem>>, vector<128x260xf32>
    %dot_general3A_29 = arith.constant dense<0.000000e+00> : vector<5000x260xf32>
    %dot_general3A_30 = tpu.matmul %get3A_25, %get3A_28, %dot_general3A_29 {dimension_numbers = #tpu.dot_dimension_numbers<[1], [0], [0], [1], [0, 0, 1, 1], [], []>, transpose_lhs_hint = false} : vector<5000x128xf32>, vector<128x260xf32>, vector<5000x260xf32> -> vector<5000x260xf32>
    %add3A_31 = arith.addf %add3A_22, %dot_general3A_30 : vector<5000x260xf32>
    %max3A_32 = arith.constant 0.000000e+00 : f32
    %max3A_33 = vector.broadcast %max3A_32 : f32 to vector<5000x260xf32>
    %max3A_34 = arith.maximumf %add3A_31, %max3A_33 : vector<5000x260xf32>
    %swap3A = arith.constant 0 : index
    %swap3A_35 = arith.constant 0 : index
    %swap3A_36 = vector.load %arg7[%swap3A, %swap3A_35] : memref<5000x260xf32, #tpu.memory_space<vmem>>, vector<5000x260xf32>
    tpu.vector_store %arg7[%swap3A, %swap3A_35], %max3A_34 {strides = array<i32>} : memref<5000x260xf32, #tpu.memory_space<vmem>>, vector<5000x260xf32>,
    %get3A_37 = arith.constant 0 : index
    %get3A_38 = arith.constant 0 : index
    %get3A_39 = vector.load %arg6[%get3A_37, %get3A_38] : memref<260x128xf32, #tpu.memory_space<vmem>>, vector<260x128xf32>
    %dot_general3A_40 = arith.constant dense<0.000000e+00> : vector<5000x128xf32>
    %dot_general3A_41 = tpu.matmul %max3A_34, %get3A_39, %dot_general3A_40 {dimension_numbers = #tpu.dot_dimension_numbers<[1], [0], [0], [1], [0, 0, 1, 1], [], []>, transpose_lhs_hint = false} : vector<5000x260xf32>, vector<260x128xf32>, vector<5000x128xf32> -> vector<5000x128xf32>
    %iota3A = tpu.iota {dimensions = array<i32: 1>} : vector<5000x16xi32>
    %eq3A = arith.constant 0 : i32
    %eq3A_42 = vector.broadcast %eq3A : i32 to vector<5000x16xi32>
    %eq3A_43 = arith.cmpi eq, %iota3A, %eq3A_42 : vector<5000x16xi32>
    %jit3A = arith.constant 1.000000e+00 : f32
    %jit3A_44 = arith.constant 0.000000e+00 : f32
    %broadcast_in_dim3A_45 = vector.broadcast %jit3A : f32 to vector<5000x16xf32>
    %broadcast_in_dim3A_46 = vector.broadcast %jit3A_44 : f32 to vector<5000x16xf32>
    %select_n3A = arith.select %eq3A_43, %broadcast_in_dim3A_45, %broadcast_in_dim3A_46 : vector<5000x16xi1>, vector<5000x16xf32>
    %concatenate3A = tpu.concatenate %dot_general3A_41, %select_n3A in 1 : vector<5000x128xf32>, vector<5000x16xf32> -> vector<5000x144xf32>
    %swap3A_47 = arith.constant 0 : index
    %swap3A_48 = arith.constant 0 : index
    %swap3A_49 = vector.load %arg8[%swap3A_47, %swap3A_48] : memref<5000x144xf32, #tpu.memory_space<vmem>>, vector<5000x144xf32>
    tpu.vector_store %arg8[%swap3A_47, %swap3A_48], %concatenate3A {strides = array<i32>} : memref<5000x144xf32, #tpu.memory_space<vmem>>, vector<5000x144xf32>,
    return
  }
  func.func @transform_0(%arg0: i32) -> (i32, i32, i32) {
    %c0_i32 = arith.constant 0 : i32
    %c0_i32_0 = arith.constant 0 : i32
    %c0_i32_1 = arith.constant 0 : i32
    %c0_i32_2 = arith.constant 0 : i32
    return %c0_i32, %c0_i32_0, %c0_i32_1 : i32, i32, i32
  }
  func.func @transform_1(%arg0: i32) -> (i32, i32) {
    %c0_i32 = arith.constant 0 : i32
    %c0_i32_0 = arith.constant 0 : i32
    %c0_i32_1 = arith.constant 0 : i32
    return %c0_i32, %c0_i32_0 : i32, i32
  }
  func.func @transform_2(%arg0: i32) -> (i32, i32) {
    %c0_i32 = arith.constant 0 : i32
    %c0_i32_0 = arith.constant 0 : i32
    %c0_i32_1 = arith.constant 0 : i32
    return %c0_i32, %c0_i32_0 : i32, i32
  }
  func.func @transform_3(%arg0: i32) -> i32 {
    %c0_i32 = arith.constant 0 : i32
    %c0_i32_0 = arith.constant 0 : i32
    return %c0_i32 : i32
  }
  func.func @transform_4(%arg0: i32) -> (i32, i32) {
    %c0_i32 = arith.constant 0 : i32
    %c0_i32_0 = arith.constant 0 : i32
    %c0_i32_1 = arith.constant 0 : i32
    return %c0_i32, %c0_i32_0 : i32, i32
  }
  func.func @transform_5(%arg0: i32) -> (i32, i32) {
    %c0_i32 = arith.constant 0 : i32
    %c0_i32_0 = arith.constant 0 : i32
    %c0_i32_1 = arith.constant 0 : i32
    return %c0_i32, %c0_i32_0 : i32, i32
  }
  func.func @transform_6(%arg0: i32) -> (i32, i32) {
    %c0_i32 = arith.constant 0 : i32
    %c0_i32_0 = arith.constant 0 : i32
    %c0_i32_1 = arith.constant 0 : i32
    return %c0_i32, %c0_i32_0 : i32, i32
  }
  func.func @transform_7(%arg0: i32) -> (i32, i32) {
    %c0_i32 = arith.constant 0 : i32
    %c0_i32_0 = arith.constant 0 : i32
    %c0_i32_1 = arith.constant 0 : i32
    return %c0_i32, %c0_i32_0 : i32, i32
  }
}

module attributes {stable_mosaic.version = 14 : i64} {
  func.func @_tc_layer2(%arg0: i32, %arg1: memref<2x2560x144xf32, #tpu.memory_space<vmem>>, %arg2: memref<5000x260xf32, #tpu.memory_space<vmem>>, %arg3: memref<260x128xf32, #tpu.memory_space<vmem>>, %arg4: memref<128xf32, #tpu.memory_space<vmem>>, %arg5: memref<2500x128xf32, #tpu.memory_space<vmem>>) attributes {dimension_semantics = [#tpu.dimension_semantics<arbitrary>], iteration_bounds = array<i64: 1>, scalar_prefetch = 0 : i64, scratch_operands = 0 : i64, tpu.core_type = #tpu.core_type<tc>, window_params = [{pipeline_mode = #tpu.pipeline_mode<synchronous>, transform_indices = @transform_0, window_bounds = array<i64: 2, 2560, 144>}, {pipeline_mode = #tpu.pipeline_mode<synchronous>, transform_indices = @transform_1, window_bounds = array<i64: 5000, 260>}, {pipeline_mode = #tpu.pipeline_mode<synchronous>, transform_indices = @transform_2, window_bounds = array<i64: 260, 128>}, {pipeline_mode = #tpu.pipeline_mode<synchronous>, transform_indices = @transform_3, window_bounds = array<i64: 128>}, {pipeline_mode = #tpu.pipeline_mode<synchronous>, transform_indices = @transform_4, window_bounds = array<i64: 2500, 128>}]} {
    %get3A = arith.constant 0 : index
    %get3A_0 = arith.constant 0 : index
    %get3A_1 = arith.constant 0 : index
    %get3A_2 = vector.load %arg1[%get3A, %get3A_0, %get3A_1] : memref<2x2560x144xf32, #tpu.memory_space<vmem>>, vector<1x2560x144xf32>
    %get3A_3 = vector.shape_cast %get3A_2 : vector<1x2560x144xf32> to vector<2560x144xf32>
    %get3A_4 = arith.constant 1 : index
    %get3A_5 = arith.constant 0 : index
    %get3A_6 = arith.constant 0 : index
    %get3A_7 = vector.load %arg1[%get3A_4, %get3A_5, %get3A_6] : memref<2x2560x144xf32, #tpu.memory_space<vmem>>, vector<1x2560x144xf32>
    %get3A_8 = vector.shape_cast %get3A_7 : vector<1x2560x144xf32> to vector<2560x144xf32>
    %add3A = arith.addf %get3A_3, %get3A_8 : vector<2560x144xf32>
    %slice3A = vector.extract_strided_slice %add3A {offsets = [0, 0], sizes = [2500, 144], strides = [1, 1]} : vector<2560x144xf32> to vector<2500x144xf32>
    %slice3A_9 = vector.extract_strided_slice %slice3A {offsets = [0, 128], sizes = [2500, 1], strides = [1, 1]} : vector<2500x144xf32> to vector<2500x1xf32>
    %squeeze3A = vector.shape_cast %slice3A_9 : vector<2500x1xf32> to vector<2500xf32>
    %slice3A_10 = vector.extract_strided_slice %slice3A {offsets = [0, 0], sizes = [2500, 128], strides = [1, 1]} : vector<2500x144xf32> to vector<2500x128xf32>
    %max3A = arith.constant 1.000000e+00 : f32
    %max3A_11 = vector.broadcast %max3A : f32 to vector<2500xf32>
    %max3A_12 = arith.maximumf %squeeze3A, %max3A_11 : vector<2500xf32>
    %broadcast_in_dim3A = vector.shape_cast %max3A_12 : vector<2500xf32> to vector<2500x1xf32>
    %div3A = vector.broadcast %broadcast_in_dim3A : vector<2500x1xf32> to vector<2500x128xf32>
    %div3A_13 = arith.divf %slice3A_10, %div3A : vector<2500x128xf32>
    %get3A_14 = arith.constant 0 : index
    %get3A_15 = arith.constant 0 : index
    %get3A_16 = vector.load %arg2[%get3A_14, %get3A_15] : memref<5000x260xf32, #tpu.memory_space<vmem>>, vector<5000x260xf32>
    %slice3A_17 = vector.extract_strided_slice %get3A_16 {offsets = [0, 0], sizes = [2500, 260], strides = [1, 1]} : vector<5000x260xf32> to vector<2500x260xf32>
    %get3A_18 = arith.constant 0 : index
    %get3A_19 = vector.load %arg4[%get3A_18] : memref<128xf32, #tpu.memory_space<vmem>>, vector<128xf32>
    %broadcast_in_dim3A_20 = vector.shape_cast %get3A_19 : vector<128xf32> to vector<1x128xf32>
    %add3A_21 = vector.broadcast %broadcast_in_dim3A_20 : vector<1x128xf32> to vector<2500x128xf32>
    %add3A_22 = arith.addf %div3A_13, %add3A_21 : vector<2500x128xf32>
    %get3A_23 = arith.constant 0 : index
    %get3A_24 = arith.constant 0 : index
    %get3A_25 = vector.load %arg3[%get3A_23, %get3A_24] : memref<260x128xf32, #tpu.memory_space<vmem>>, vector<260x128xf32>
    %dot_general3A = arith.constant dense<0.000000e+00> : vector<2500x128xf32>
    %dot_general3A_26 = tpu.matmul %slice3A_17, %get3A_25, %dot_general3A {dimension_numbers = #tpu.dot_dimension_numbers<[1], [0], [0], [1], [0, 0, 1, 1], [], []>, transpose_lhs_hint = false} : vector<2500x260xf32>, vector<260x128xf32>, vector<2500x128xf32> -> vector<2500x128xf32>
    %add3A_27 = arith.addf %add3A_22, %dot_general3A_26 : vector<2500x128xf32>
    %swap3A = arith.constant 0 : index
    %swap3A_28 = arith.constant 0 : index
    %swap3A_29 = vector.load %arg5[%swap3A, %swap3A_28] : memref<2500x128xf32, #tpu.memory_space<vmem>>, vector<2500x128xf32>
    tpu.vector_store %arg5[%swap3A, %swap3A_28], %add3A_27 {strides = array<i32>} : memref<2500x128xf32, #tpu.memory_space<vmem>>, vector<2500x128xf32>,
    return
  }
  func.func @transform_0(%arg0: i32) -> (i32, i32, i32) {
    %c0_i32 = arith.constant 0 : i32
    %c0_i32_0 = arith.constant 0 : i32
    %c0_i32_1 = arith.constant 0 : i32
    %c0_i32_2 = arith.constant 0 : i32
    return %c0_i32, %c0_i32_0, %c0_i32_1 : i32, i32, i32
  }
  func.func @transform_1(%arg0: i32) -> (i32, i32) {
    %c0_i32 = arith.constant 0 : i32
    %c0_i32_0 = arith.constant 0 : i32
    %c0_i32_1 = arith.constant 0 : i32
    return %c0_i32, %c0_i32_0 : i32, i32
  }
  func.func @transform_2(%arg0: i32) -> (i32, i32) {
    %c0_i32 = arith.constant 0 : i32
    %c0_i32_0 = arith.constant 0 : i32
    %c0_i32_1 = arith.constant 0 : i32
    return %c0_i32, %c0_i32_0 : i32, i32
  }
  func.func @transform_3(%arg0: i32) -> i32 {
    %c0_i32 = arith.constant 0 : i32
    %c0_i32_0 = arith.constant 0 : i32
    return %c0_i32 : i32
  }
  func.func @transform_4(%arg0: i32) -> (i32, i32) {
    %c0_i32 = arith.constant 0 : i32
    %c0_i32_0 = arith.constant 0 : i32
    %c0_i32_1 = arith.constant 0 : i32
    return %c0_i32, %c0_i32_0 : i32, i32
  }
}

</mosaic_0001>

<sc_bundles>
// kernel: kernel.6.cloned.1.call-start
scs
__scs_entry_jumppad:
0x0: {  	(pc) =	sbr.rel $0x88, $3  }
0x1: {  	(tag) =	ssettag $0x0;
	lr =	simm.s32 $0x1  }
0x2: {  	[smem:$0x3F98] =	sst lr;
	_ =	strace $0xD0000000  }
0x3: {  	_ = 	snop  }
0x4: {  	_ = 	snop  }
0x5: {  	_ = 	snop  }
0x6: {  	_ = 	snop  }
0x7: {  	_ = 	snop  }
__scs_overlays_trampoline_lowered:
0x8: {  	[smem:$0x3FA7] =	sst s0  }
0x9: {  	[smem:$0x3FA8] =	sst s1  }
0xa: {  	[smem:$0x3FA9] =	sst s2  }
0xb: {  	[smem:$0x3FAA] =	sst s3  }
0xc: {  	[smem:$0x3FAB] =	sst s4  }
0xd: {  	[smem:$0x3FAC] =	sst s5  }
0xe: {  	[smem:$0x3FAD] =	sst s6  }
0xf: {  	[smem:$0x3FAE] =	sst s7  }
0x10: {  	[smem:$0x3FAF] =	sst s8  }
0x11: {  	[smem:$0x3FB0] =	sst s9;
	s0 =	simm.s32 @!p0 $0x0  }
0x12: {  	s1 =	sld [smem:$0x3F96];
	s0 =	simm.s32 @p0 $0x1  }
0x13: {  	[smem:$0x3FB1] =	sst s0;
	s0 =	simm.s32 @!p1 $0x0  }
0x14: {  	s2 =	sld [smem:$0x3F95];
	s0 =	simm.s32 @p1 $0x1  }
0x15: {  	[smem:$0x3FB2] =	sst s0;
	s0 =	simm.s32 @!p2 $0x0  }
0x16: {  	s3 =	sld [smem:$0x3FDB];
	s0 =	simm.s32 @p2 $0x1  }
0x17: {  	s4 =	simm.s32 $0x1BF5;
	[smem:$0x3FB4] =	sst s0  }
0x18: {  	s0 =	sld [smem:$0x3F97];
	_ =	swait.ge [sflag:s4], $0x0  }
0x19: {  	s7 =	sld [smem:$0x3F98]  }
0x1a: {  	s8 =	sadd.s32 $0xFFFFE003, lr  }
0x1b: {  	s9 =	sadd.s32 $0xFFFFFEF7, lr;
	s5 =	simm.s32 $0xFFFFFFFF;
	p2 =	slt.u32 s8, $0xFFFFF086  }
0x1c: {  	p1 =	slt.u32 s9, $0xF7A;
	s5 =	simm.s32 @!p2 $0x0  }
0x1d: {  	s5 =	simm.s32 @p1 $0x1;
	p0 =	seq.s32 s7, s2  }
0x1e: {  	s7 =	smul.u32 @!p0 $0xF7A, s2;
	p2 =	seq.s32 @!p0 s5, $0x0  }
0x1f: {  	s9 =	smul.u32 $0xF7A, s1;
	s8 =	simm.s32 @!p0 $0x1BF5;
	p2 =	por !p2, p0  }
0x20: {  	[sflag:s8] =	ssyncset.s32 @!p0 $0xFFFFF086;
	s6 =	sadd.s32 @!p0 s3, s7;
	s7 =	simm.s32 @!p0 $0x108  }
0x21: {  	s3 =	sadd.s32 s3, s9;
	s6 =	sadd.s32 @!p0 $0x88, s6;
	s7 =	simm.s32 @p2 $0x1082  }
0x22: {  	[simem:s7], [sflag:s8] =	dma.local @!p0 [hbm:s6], $0xF7A  }
0x23: {  	s9 =	sor.u32 $0xD0000000, s2;
	s6 =	simm.s32 $0x108;
	_ =	swait.ge @!p0 [sflag:s8], $0x0  }
0x24: {  	s3 =	sadd.s32 $0x88, s3;
	s6 =	simm.s32 @!p1 $0x1082;
	[sflag:s4] =	ssyncset.s32 $0xFFFFF086  }
0x25: {  	[simem:s6], [sflag:s4] =	dma.local [hbm:s3], $0xF7A  }
0x26: {  	[smem:$0x3F98] =	sst s1;
	(tag) =	ssettag s2;
	_ =	strace s9  }
0x27: {  	s1 =	sld [smem:$0x3FA8]  }
0x28: {  	s2 =	sld [smem:$0x3FA9]  }
0x29: {  	s4 =	sld [smem:$0x3FAB]  }
0x2a: {  	p0 =	seq.s32 s5, $0x0;
	s5 =	sld [smem:$0x3FAC]  }
0x2b: {  	s6 =	sld [smem:$0x3FAD]  }
0x2c: {  	s7 =	sld [smem:$0x3FAE]  }
0x2d: {  	s3 =	simm.s32 $0x108;
	s8 =	sld [smem:$0x3FAF]  }
0x2e: {  	s3 =	simm.s32 @!p0 $0x1082;
	s9 =	sld [smem:$0x3FB0]  }
0x2f: {  	lr =	sadd.s32 s0, s3;
	s0 =	sld [smem:$0x3FA7]  }
0x30: {  	s3 =	sld [smem:$0x3FAA]  }
0x31: {  	[smem:$0x3FB3] =	sst s10  }
0x32: {  	s10 =	sld [smem:$0x3FB1];
	_ =	sdelay $0x3  }
0x33: {  	p0 =	seq.s32 s10, $0x1;
	s10 =	sld [smem:$0x3FB3];
	_ =	sdelay $0x3  }
0x34: {  	[smem:$0x3FB3] =	sst s10  }
0x35: {  	s10 =	sld [smem:$0x3FB2];
	_ =	sdelay $0x3  }
0x36: {  	p1 =	seq.s32 s10, $0x1;
	s10 =	sld [smem:$0x3FB3];
	_ =	sdelay $0x3  }
0x37: {  	[smem:$0x3FB3] =	sst s10  }
0x38: {  	s10 =	sld [smem:$0x3FB4]  }
0x39: {  	_ = 	snop;
	(pc) =	sbr.ind lr, $3  }
0x3a: {  	_ = 	snop  }
0x3b: {  	_ = 	snop  }
0x3c: {  	p2 =	seq.s32 s10, $0x1;
	s10 =	sld [smem:$0x3FB3]  }
0x3d: {  	_ =	shalt  }
0x3e: {  	_ =	shalt  }
0x3f: {  	_ =	shalt  }
0x40: {  	_ =	shalt  }
0x41: {  	_ =	shalt  }
0x42: {  	_ =	shalt  }
0x43: {  	_ =	shalt  }
0x44: {  	_ =	shalt  }
0x45: {  	_ =	shalt  }
0x46: {  	_ =	shalt  }
0x47: {  	_ =	shalt  }
0x48: {  	_ =	shalt  }
0x49: {  	_ =	shalt  }
0x4a: {  	_ =	shalt  }
0x4b: {  	_ =	shalt  }
0x4c: {  	_ =	shalt  }
0x4d: {  	_ =	shalt  }
0x4e: {  	_ =	shalt  }
0x4f: {  	_ =	shalt  }
0x50: {  	_ =	shalt  }
0x51: {  	_ =	shalt  }
0x52: {  	_ =	shalt  }
0x53: {  	_ =	shalt  }
0x54: {  	_ =	shalt  }
0x55: {  	_ =	shalt  }
0x56: {  	_ =	shalt  }
0x57: {  	_ =	shalt  }
0x58: {  	_ =	shalt  }
0x59: {  	_ =	shalt  }
0x5a: {  	_ =	shalt  }
0x5b: {  	_ =	shalt  }
0x5c: {  	_ =	shalt  }
0x5d: {  	_ =	shalt  }
0x5e: {  	_ =	shalt  }
0x5f: {  	_ =	shalt  }
0x60: {  	_ =	shalt  }
0x61: {  	_ =	shalt  }
0x62: {  	_ =	shalt  }
0x63: {  	_ =	shalt  }
0x64: {  	_ =	shalt  }
0x65: {  	_ =	shalt  }
0x66: {  	_ =	shalt  }
0x67: {  	_ =	shalt  }
0x68: {  	_ =	shalt  }
0x69: {  	_ =	shalt  }
0x6a: {  	_ =	shalt  }
0x6b: {  	_ =	shalt  }
0x6c: {  	_ =	shalt  }
0x6d: {  	_ =	shalt  }
0x6e: {  	_ =	shalt  }
0x6f: {  	_ =	shalt  }
0x70: {  	_ =	shalt  }
0x71: {  	_ =	shalt  }
0x72: {  	_ =	shalt  }
0x73: {  	_ =	shalt  }
0x74: {  	_ =	shalt  }
0x75: {  	_ =	shalt  }
0x76: {  	_ =	shalt  }
0x77: {  	_ =	shalt  }
0x78: {  	_ =	shalt  }
0x79: {  	_ =	shalt  }
0x7a: {  	_ =	shalt  }
0x7b: {  	_ =	shalt  }
0x7c: {  	_ =	shalt  }
0x7d: {  	_ =	shalt  }
0x7e: {  	_ =	shalt  }
0x7f: {  	_ =	shalt  }
0x80: {  	_ =	shalt  }
0x81: {  	_ =	shalt  }
0x82: {  	_ =	shalt  }
0x83: {  	_ =	shalt  }
0x84: {  	_ =	shalt  }
0x85: {  	_ =	shalt  }
0x86: {  	_ =	shalt  }
0x87: {  	_ =	shalt  }
.Lfunc_end0:
.L_simem_size_0:
called_computation_lowered:
.L_overlay_start_0:
0x88: {  	s2 =	sld [smem:$0x3FD9]  }
0x89: {  	s3 =	sld [smem:$0x3FFE];
	_ =	sdelay $0x1  }
0x8a: {  	s1 =	srdreg.scid  }
0x8b: {  	s0 =	sand.u32 $0x1, s1  }
0x8c: {  	s16 =	sshll.u32 s0, $0xA;
	s2 =	sadd.s32 s3, s2  }
0x8d: {  	s2 =	sadd.s32 s2, s16  }
0x8e: {  	[smem:$0x3FBF] =	sst s2  }
0x8f: {  	_ = 	snop  }
0x90: {  	(tm) =	ssettm $0x1  }
0x91: {  	s17 =	sld [smem:$0x3FFB];
	_ =	sdelay $0x3  }
0x92: {  	_ =	strace s17  }
0x93: {  	s2 =	sld [smem:$0x3FFC];
	_ =	sdelay $0x3  }
0x94: {  	_ =	strace s2  }
0x95: {  	s2 =	sld [smem:$0x3FFD];
	_ =	sdelay $0x3  }
0x96: {  	_ =	strace s2  }
0x97: {  	_ =	strace $0x8FFFFFFF  }
0x98: {  	s18 =	sld [smem:$0x3FDB];
	_ =	sdelay $0x1  }
0x99: {  	s19 =	simm.s32 $_scs_section_size  }
0x9a: {  	s4 =	simm.s32 $_size__tile_overlayer_lowered;
	s5 =	simm.s32 $_tile_overlayer_lowered  }
0x9b: {  	s22 =	simm.s32 $0x1BFF;
	s21 =	sshll.u32 s5, $0x1;
	s2 =	sadd.s32 s19, s18  }
0x9c: {  	s6 =	simm.s32 $0x0;
	s20 =	sshll.u32 s4, $0x1;
	s4 =	sadd.s32 s21, s2  }
0x9d: {  	[timem:s6], [sflag:s22] =	dma.local [hbm:s4], s20  }
0x9e: {  	_ =	swait.ge [sflag:s22], s20  }
0x9f: {  	s3 =	ssub.s32 $0x0, s20;
	[sflag:s22] =	ssyncset.done $0x0  }
0xa0: {  	[sflag:s22] =	ssyncadd.s32 s3;
	_ =	sdelay $0x1  }
0xa1: {  	s23 =	simm.s32 $0x1B8B  }
0xa2: {  	_ =	swait.ge [sflag:s23], $0x1  }
0xa3: {  	[sflag:s23] =	ssyncset.done $0x0  }
0xa4: {  	s25 =	simm.s32 $0x1B8E;
	s24 =	sld [smem:$0x3FFE];
	[sflag:s23] =	ssyncadd.s32 $0xFFFFFFFF  }
0xa5: {  	s26 =	simm.s32 $execute0_lowered;
	[smem:$0x3FD2] =	sst s25  }
0xa6: {  	s4 =	sshll.u32 s26, $0x1;
	_ =	strace $0x80000046;
	[dreg:$0x1] =	wrdreg $0xFFFFFFFF  }
0xa7: {  	s28 =	simm.s32 $_size_execute0_lowered;
	s2 =	sadd.s32 s2, s4;
	[dreg:$0x0] =	wrdreg $0x0  }
0xa8: {  	s4 =	sshll.u32 s28, $0x1;
	[dreg:$0x2] =	wrdreg s2  }
0xa9: {  	[dreg:$0x3] =	wrdreg s4  }
0xaa: {  	[dreg:$0x4] =	wrdreg $0xC0  }
0xab: {  	_ =	task [dreg:s6], $0x5FFFF  }
0xac: {  	[dreg:$0x1] =	wrdreg $0xFFFFFFFF  }
0xad: {  	[dreg:$0x0] =	wrdreg $0x60  }
0xae: {  	[dreg:$0x2] =	wrdreg s24  }
0xaf: {  	[dreg:$0x3] =	wrdreg $0x127000  }
0xb0: {  	[dreg:$0x4] =	wrdreg $0x9  }
0xb1: {  	_ =	task.clear_ibuf [dreg:s6], $0x5FFFF;
	_ =	strace $0x90000046  }
0xb2: {  	s29 =	simm.s32 $0x9;
	_ =	strace $0x80000048  }
0xb3: {  	_ =	swait.ge [sflag:s29], $0x1  }
0xb4: {  	[sflag:s29] =	ssyncadd.s32 $0xFFFFFFFF  }
0xb5: {  	_ =	strace $0x90000048  }
0xb6: {  	_ =	sfence  }
0xb7: {  	s30 =	sld [smem:$0x0];
	_ =	sdelay $0x2  }
0xb8: {  	s31 =	sshll.u32 s1, $0xD;
	s1 =	sshrl.u32 s1, $0x2  }
0xb9: {  	s3 =	sand.u32 $0x4000, s31;
	s1 =	sadd.s32 s1, s30  }
0xba: {  	s0 =	sor.u32 s3, s0;
	s1 =	sshll.u32 s1, $0x11  }
0xbb: {  	s0 =	sor.u32 s1, s0  }
0xbc: {  	s0 =	sadd.s32 $0x8F2B, s0  }
0xbd: {  	[sflag:s0] =	ssyncadd.remote.s32 $0x1  }
0xbe: {  	_ =	sfence.sel $0xFFFF  }
0xbf: {  	[dreg:$0x0] =	wrdreg $0xFFFFFFFF;
	(pc) =	sbr.abs _section_cstart, $3  }
0xc0: {  	[dreg:$0x1] =	wrdreg $0xFFFFFFFF  }
0xc1: {  	_ =	task.clear_ibuf [dreg:s6], $0x2FFFF;
	_ =	strace $0x9FFFFFFF  }
0xc2: {  	(tm) =	ssettm $0x7FFFFFFF  }
0xc3: {  	_ =	shalt  }
tec
execute0_lowered:
.L_overlay_start_1:
0x0: {  	(tag) =	ssettag $0x1  }
0x1: {  	s0 =	srdreg.scid  }
0x2: {  	s13 =	stileid.u32;
	s3 =	rddreg [dreg:$0x0]  }
0x3: {  	s2 =	rddreg [dreg:$0x1];
	s6 =	simm.s32 $0x0;
	s28 =	simm.s32 $0x80  }
0x4: {  	s29 =	simm.s32 $0x4F00;
	s30 =	simm.s32 $0x9700;
	s7 =	smul.u32 $0xB400, s13  }
0x5: {  	s31 =	simm.s32 $0xDF00;
	s0 =	sand.u32 $0x1, s0;
	s15 =	smul.u32 $0x13800, s13  }
0x6: {  	s1 =	sshll.u32 s13, $0x1;
	[smem:$0x7FF] =	sst s6;
	s17 =	smul.u32 $0x9C, s13  }
0x7: {  	s10 =	sadd.s32 $0x41C00, s3;
	p0 =	slt.u32 s13, $0x2;
	s25 =	smul.u32 $0xB4000, s0  }
0x8: {  	s16 =	sshll.u32 s13, $0x6;
	s1 =	sor.u32 s0, s1;
	s19 =	smul.u32 $0x4E, s0  }
0x9: {  	_ =	strace $0x80000047;
	s11 =	ssub.s32 $0x2, s0;
	s0 =	smul.u32 $0x9C00, s0  }
0xa: {  	[dreg:$0x3] =	wrdreg s10;
	s4 =	smul.u32 $0x4E, s1;
	s12 =	sshrl.u32 s11, $0x1  }
0xb: {  	s1 =	smin.u32 s1, $0x4;
	s6 =	sadd.s32 s7, s25;
	s12 =	ssub.s32 s11, s12  }
0xc: {  	s7 =	sadd.s32 s7, s2;
	s20 =	sadd.s32 s17, s1;
	s0 =	sadd.s32 s0, s15  }
0xd: {  	s5 =	sadd.s32 s1, s4;
	s4 =	sadd.s32 $0x2200, s3;
	s26 =	sshrl.u32 s6, $0x3  }
0xe: {  	s6 =	simm.s32 $0x4F;
	[dreg:$0x6] =	wrdreg s7;
	s21 =	smax.u32 s12, $0x1  }
0xf: {  	s1 =	sshll.u32 s1, $0x9;
	s7 =	simm.s32 $0x0;
	s8 =	smin.u32 s5, $0x975  }
0x10: {  	s6 =	simm.s32 @!p0 $0x4E;
	[dreg:$0x9] =	wrdreg s21;
	s9 =	sshll.u32 s8, $0x4  }
0x11: {  	s0 =	sadd.s32 s1, s0;
	s1 =	simm.s32 $0x4;
	s9 =	sadd.s32 s9, s3  }
0x12: {  	s5 =	ssub.s32 s5, s8;
	s3 =	sadd.s32 s26, s3;
	s11 =	sadd.s32 $0x2E200, s9  }
0x13: {  	s5 =	sshll.u32 s5, $0x9;
	s14 =	sadd.s32 $0x37E40, s9;
	[dreg:$0x4] =	wrdreg s11  }
0x14: {  	s10 =	sshra.s32 s5, $0x2;
	s3 =	sadd.s32 $0x43400, s3;
	[dreg:$0x5] =	wrdreg s14  }
0x15: {  	s5 =	simm.s32 $0x7;
	s18 =	sadd.s32 $0x80, s10;
	[dreg:$0x8] =	wrdreg s3  }
0x16: {  	s11 =	sor.u32 $0x1C07, s16;
	s22 =	sadd.s32 $0x2780, s10;
	[dreg:$0x7] =	wrdreg s18  }
0x17: {  	s3 =	sadd.s32 s19, s20;
	s23 =	sadd.s32 $0x100, s10;
	[dreg:$0xa] =	wrdreg s22  }
0x18: {  	s25 =	sadd.s32 $0x2800, s10;
	s26 =	sadd.s32 $0x180, s10;
	[dreg:$0xb] =	wrdreg s23  }
0x19: {  	s19 =	sadd.s32 $0x2880, s10;
	s3 =	smin.u32 s3, $0x975;
	[dreg:$0xc] =	wrdreg s25  }
0x1a: {  	s20 =	sadd.s32 $0x200, s10;
	[dreg:$0xd] =	wrdreg s26;
	s24 =	sshll.u32 s3, $0x9  }
0x1b: {  	s22 =	sadd.s32 $0x4E80, s10;
	s25 =	simm.s32 $0x1;
	s0 =	ssub.s32 s0, s24  }
0x1c: {  	s26 =	simm.s32 $0x2;
	s3 =	simm.s32 $0x6;
	s21 =	sshra.s32 s0, $0x2  }
0x1d: {  	s24 =	simm.s32 $0x5;
	s0 =	simm.s32 $0x3;
	s23 =	sadd.s32 $0x2780, s21  }
.LBB2_1:
0x1e: {  	s9 =	rddreg [dreg:$0x4]  }
0x1f: {  	s8 =	simm.s32 $0x0;
	s14 =	rddreg [dreg:$0x5]  }
0x20: {  	[tilespmem:s8], [sflag:$0x1] =	stream.linear.gather [hbm4b:s9+s8], $0x2780, $0x38;
	[tilespmem:$0x1DB00] =	vst v63  }
0x21: {  	s12 =	simm.s32 $0x2780;
	s15 =	rddreg [dreg:$0x6]  }
0x22: {  	[tilespmem:s12], [sflag:$0x2] =	stream.linear.gather [hbm4b:s14+s8], $0x2780, $0x38;
	[tilespmem:$0x1DB00] =	vst v63  }
0x23: {  	s16 =	rddreg [dreg:$0x3];
	s8 =	sshrl.u32 s15, $0x3  }
0x24: {  	[spmem:s8], [sflag:s11] =	dma.local [hbm:s16], $0x1680  }
0x25: {  	_ =	swait.ge [sflag:s5], $0x1680  }
0x26: {  	[sflag:s5] =	ssyncset.done $0x0  }
0x27: {  	[sflag:s5] =	ssyncadd.s32 $0xFFFFE980  }
0x28: {  	_ =	swait.ge [sflag:s25], $0x2780  }
0x29: {  	[sflag:s25] =	ssyncset.done $0x0  }
0x2a: {  	[sflag:s25] =	ssyncadd.s32 $0xFFFFD880  }
0x2b: {  	_ =	swait.ge [sflag:s26], $0x2780  }
0x2c: {  	[sflag:s26] =	ssyncset.done $0x0  }
0x2d: {  	[sflag:s26] =	ssyncadd.s32 $0xFFFFD880  }
0x2e: {  	[bflag:$0x0] =	sbarrier.arrive $0xFFFF  }
0x2f: {  	[tilespmem:s29], [sflag:$0x1] =	stream.indirect.gather [hbm4b:s4+s28], $0x90, s10, s28, $0xb8;
	[tilespmem:$0x1DB00] =	vst v63  }
0x30: {  	s17 =	rddreg [dreg:$0x7]  }
0x31: {  	[tilespmem:s30], [sflag:$0x2] =	stream.indirect.gather [hbm4b:s4+s28], $0x90, s17, s28, $0xb8;
	[tilespmem:$0x1DB00] =	vst v63  }
0x32: {  	_ =	swait.ge [sflag:s25], $0x4800  }
0x33: {  	[sflag:s25] =	ssyncset.done $0x0  }
0x34: {  	s18 =	rddreg [dreg:$0xa];
	[sflag:s25] =	ssyncadd.s32 $0xFFFFB800  }
0x35: {  	[spmem:s2] =	stream.indirect.scatter.add.f32 [tilespmem:s29], [sflag:$0x4], $0x90, s18, s28, $0xb8;
	[tilespmem:$0x1DB00] =	vst v63  }
0x36: {  	s12 =	rddreg [dreg:$0xb]  }
0x37: {  	[tilespmem:s31], [sflag:$0x3] =	stream.indirect.gather [hbm4b:s4+s28], $0x90, s12, s28, $0xb8;
	[tilespmem:$0x1DB00] =	vst v63  }
0x38: {  	_ =	swait.ge [sflag:s26], $0x4800  }
0x39: {  	[sflag:s26] =	ssyncset.done $0x0  }
0x3a: {  	s13 =	rddreg [dreg:$0xc];
	[sflag:s26] =	ssyncadd.s32 $0xFFFFB800  }
0x3b: {  	[spmem:s2] =	stream.indirect.scatter.add.f32 [tilespmem:s30], [sflag:$0x5], $0x90, s13, s28, $0xb8;
	[tilespmem:$0x1DB00] =	vst v63  }
0x3c: {  	_ =	swait.ge [sflag:s1], $0x4800  }
0x3d: {  	[sflag:s1] =	ssyncset.done $0x0  }
0x3e: {  	s14 =	rddreg [dreg:$0xd];
	[sflag:s1] =	ssyncadd.s32 $0xFFFFB800  }
0x3f: {  	[tilespmem:s29], [sflag:$0x1] =	stream.indirect.gather [hbm4b:s4+s28], $0x90, s14, s28, $0xb8;
	[tilespmem:$0x1DB00] =	vst v63  }
0x40: {  	_ =	swait.ge [sflag:s0], $0x4800  }
0x41: {  	[sflag:s0] =	ssyncset.done $0x0  }
0x42: {  	[sflag:s0] =	ssyncadd.s32 $0xFFFFB800  }
0x43: {  	[spmem:s2] =	stream.indirect.scatter.add.f32 [tilespmem:s31], [sflag:$0x6], $0x90, s19, s28, $0xb8;
	[tilespmem:$0x1DB00] =	vst v63  }
0x44: {  	_ =	swait.ge [sflag:s24], $0x4800  }
0x45: {  	[sflag:s24] =	ssyncset.done $0x0  }
0x46: {  	[sflag:s24] =	ssyncadd.s32 $0xFFFFB800  }
0x47: {  	[tilespmem:s30], [sflag:$0x2] =	stream.indirect.gather [hbm4b:s4+s28], $0x90, s20, s28, $0xb8;
	[tilespmem:$0x1DB00] =	vst v63  }
0x48: {  	_ =	swait.ge [sflag:s25], $0x4800  }
0x49: {  	s13 =	sadd.s32 $0x0, s23;
	[sflag:s25] =	ssyncset.done $0x0  }
0x4a: {  	s15 =	sadd.s32 $0x180, s13;
	[sflag:s25] =	ssyncadd.s32 $0xFFFFB800  }
0x4b: {  	[spmem:s2] =	stream.indirect.scatter.add.f32 [tilespmem:s29], [sflag:$0x4], $0x90, s15, s28, $0xb8;
	[tilespmem:$0x1DB00] =	vst v63  }
0x4c: {  	_ =	swait.ge [sflag:s3], $0x4800  }
0x4d: {  	s16 =	sadd.s32 $0x0, s21;
	[sflag:s3] =	ssyncset.done $0x0  }
0x4e: {  	s9 =	sadd.s32 $0x280, s16;
	[sflag:s3] =	ssyncadd.s32 $0xFFFFB800  }
0x4f: {  	[tilespmem:s31], [sflag:$0x3] =	stream.indirect.gather [hbm4b:s4+s28], $0x90, s9, s28, $0xb8;
	[tilespmem:$0x1DB00] =	vst v63  }
0x50: {  	_ =	swait.ge [sflag:s26], $0x4800  }
0x51: {  	p0 =	sle.u32 s6, $0x6;
	[sflag:s26] =	ssyncset.done $0x0  }
0x52: {  	s12 =	simm.s32 @!p0 $0x4;
	s17 =	sadd.s32 $0x200, s13;
	[sflag:s26] =	ssyncadd.s32 $0xFFFFB800  }
0x53: {  	[spmem:s2] =	stream.indirect.scatter.add.f32 [tilespmem:s30], [sflag:$0x5], $0x90, s17, s28, $0xb8;
	[tilespmem:$0x1DB00] =	vst v63  }
0x54: {  	_ =	swait.ge @!p0 [sflag:s12], $0x4800  }
0x55: {  	s14 =	simm.s32 @!p0 $0x4F00;
	s9 =	sadd.s32 @!p0 $0x0, s21;
	[sflag:s12] =	ssyncset.done @!p0 $0x0  }
0x56: {  	s15 =	simm.s32 @!p0 $0x80;
	s9 =	sadd.s32 @!p0 $0x300, s9;
	[sflag:s12] =	ssyncadd.s32 @!p0 $0xFFFFB800  }
0x57: {  	[tilespmem:s14], [sflag:$0x1] =	stream.indirect.gather @!p0 [hbm4b:s4+s15], $0x90, s9, s15, $0xb8;
	[tilespmem:$0x1DB00] =	vst v63  }
0x58: {  	p1 =	sle.u32 s6, $0x7;
	_ =	swait.ge [sflag:s0], $0x4800  }
0x59: {  	s16 =	simm.s32 @!p1 $0x80;
	s18 =	sadd.s32 $0x280, s13;
	[sflag:s0] =	ssyncset.done $0x0  }
0x5a: {  	s13 =	simm.s32 @!p1 $0x5;
	s12 =	simm.s32 $0xA;
	[sflag:s0] =	ssyncadd.s32 $0xFFFFB800  }
0x5b: {  	[spmem:s2] =	stream.indirect.scatter.add.f32 [tilespmem:s31], [sflag:$0x6], $0x90, s18, s28, $0xb8;
	[tilespmem:$0x1DB00] =	vst v63  }
0x5c: {  	s9 =	simm.s32 $0x600;
	s15 =	sadd.s32 @!p1 $0x0, s21;
	_ =	swait.ge @!p1 [sflag:s13], $0x4800  }
0x5d: {  	s14 =	simm.s32 @!p1 $0x9700;
	s15 =	sadd.s32 @!p1 $0x380, s15;
	[sflag:s13] =	ssyncset.done @!p1 $0x0  }
.LBB2_2:
0x5e: {  	s17 =	sshra.s32 s9, $0x2  }
0x5f: {  	[sflag:s13] =	ssyncadd.s32 @!p1 $0xFFFFB800;
	s18 =	smov.u32 s9;
	s9 =	sadd.s32 $0x600, s9  }
0x60: {  	[tilespmem:s14], [sflag:$0x2] =	stream.indirect.gather @!p1 [hbm4b:s4+s16], $0x90, s15, s16, $0xb8;
	[tilespmem:$0x1DB00] =	vst v63  }
0x61: {  	s13 =	sadd.s32 s17, s23;
	s14 =	sadd.s32 s17, s21;
	_ =	swait.ge [sflag:s25], $0x4800  }
0x62: {  	p0 =	sne.s32 s9, $0x9600;
	s15 =	sadd.s32 $0x180, s13;
	[sflag:s25] =	ssyncset.done $0x0  }
0x63: {  	[sflag:s25] =	ssyncadd.s32 $0xFFFFB800  }
0x64: {  	[spmem:s2] =	stream.indirect.scatter.add.f32 [tilespmem:s29], [sflag:$0x4], $0x90, s15, s28, $0xb8;
	[tilespmem:$0x1DB00] =	vst v63  }
0x65: {  	_ =	swait.ge [sflag:s3], $0x4800  }
0x66: {  	s14 =	sadd.s32 $0x280, s14;
	[sflag:s3] =	ssyncset.done $0x0  }
0x67: {  	[sflag:s3] =	ssyncadd.s32 $0xFFFFB800  }
0x68: {  	[tilespmem:s31], [sflag:$0x3] =	stream.indirect.gather [hbm4b:s4+s28], $0x90, s14, s28, $0xb8;
	[tilespmem:$0x1DB00] =	vst v63  }
0x69: {  	s14 =	sadd.s32 $0xFFFFFFFF, s12;
	_ =	swait.ge [sflag:s26], $0x4800  }
0x6a: {  	s15 =	sadd.s32 $0x200, s13;
	p1 =	sge.u32 s14, s6;
	[sflag:s26] =	ssyncset.done $0x0  }
0x6b: {  	s14 =	simm.s32 @!p1 $0x4;
	s16 =	sshra.s32 @!p1 s18, $0x2;
	[sflag:s26] =	ssyncadd.s32 $0xFFFFB800  }
0x6c: {  	[spmem:s2] =	stream.indirect.scatter.add.f32 [tilespmem:s30], [sflag:$0x5], $0x90, s15, s28, $0xb8;
	[tilespmem:$0x1DB00] =	vst v63  }
0x6d: {  	s15 =	sadd.s32 @!p1 s16, s21;
	s16 =	simm.s32 @!p1 $0x4F00;
	_ =	swait.ge @!p1 [sflag:s14], $0x4800  }
0x6e: {  	s17 =	simm.s32 @!p1 $0x80;
	s15 =	sadd.s32 @!p1 $0x300, s15;
	[sflag:s14] =	ssyncset.done @!p1 $0x0  }
0x6f: {  	[sflag:s14] =	ssyncadd.s32 @!p1 $0xFFFFB800  }
0x70: {  	[tilespmem:s16], [sflag:$0x1] =	stream.indirect.gather @!p1 [hbm4b:s4+s17], $0x90, s15, s17, $0xb8;
	[tilespmem:$0x1DB00] =	vst v63  }
0x71: {  	p1 =	sge.u32 s12, s6;
	s12 =	sadd.s32 $0x3, s12;
	_ =	swait.ge [sflag:s0], $0x4800  }
.Ltmp0:
0x72: {  	s14 =	sadd.s32 $0x280, s13;
	[sflag:s0] =	ssyncset.done $0x0;
	(pc) =	sbr.rel @p0 .LBB2_2-.Ltmp0, $4  }
0x73: {  	s13 =	simm.s32 @!p1 $0x5;
	s15 =	sshra.s32 @!p1 s18, $0x2;
	[sflag:s0] =	ssyncadd.s32 $0xFFFFB800  }
0x74: {  	[spmem:s2] =	stream.indirect.scatter.add.f32 [tilespmem:s31], [sflag:$0x6], $0x90, s14, s28, $0xb8;
	[tilespmem:$0x1DB00] =	vst v63  }
0x75: {  	s15 =	sadd.s32 @!p1 s15, s21;
	s14 =	simm.s32 @!p1 $0x9700;
	_ =	swait.ge @!p1 [sflag:s13], $0x4800  }
0x76: {  	s16 =	simm.s32 @!p1 $0x80;
	s15 =	sadd.s32 @!p1 $0x380, s15;
	[sflag:s13] =	ssyncset.done @!p1 $0x0  }
0x77: {  	[sflag:s13] =	ssyncadd.s32 @!p1 $0xFFFFB800  }
0x78: {  	[tilespmem:s14], [sflag:$0x2] =	stream.indirect.gather @!p1 [hbm4b:s4+s16], $0x90, s15, s16, $0xb8;
	[tilespmem:$0x1DB00] =	vst v63  }
0x79: {  	s16 =	sadd.s32 $0xFFFFFFFC, s12  }
0x7a: {  	p0 =	sge.u32 s16, s6  }
0x7b: {  	s13 =	simm.s32 @!p0 $0x1  }
0x7c: {  	_ =	swait.ge @!p0 [sflag:s13], $0x4800  }
0x7d: {  	s17 =	sadd.s32 $0xFFFFFFFE, s12;
	[sflag:s13] =	ssyncset.done @!p0 $0x0  }
0x7e: {  	s14 =	simm.s32 @!p0 $0x4F00;
	[sflag:s13] =	ssyncadd.s32 @!p0 $0xFFFFB800;
	s13 =	simm.s32 @!p0 $0x80  }
0x7f: {  	[spmem:s2] =	stream.indirect.scatter.add.f32 @!p0 [tilespmem:s14], [sflag:$0x4], $0x90, s22, s13, $0xb8;
	[tilespmem:$0x1DB00] =	vst v63  }
0x80: {  	p0 =	sge.u32 s17, s6  }
0x81: {  	s13 =	simm.s32 @!p0 $0x6  }
0x82: {  	_ =	swait.ge @!p0 [sflag:s13], $0x4800  }
0x83: {  	s18 =	sadd.s32 $0xFFFFFFFF, s12;
	s14 =	sshra.s32 @!p0 s9, $0x2;
	[sflag:s13] =	ssyncset.done @!p0 $0x0  }
0x84: {  	p1 =	sge.u32 s18, s6;
	[sflag:s13] =	ssyncadd.s32 @!p0 $0xFFFFB800;
	s13 =	sadd.s32 @!p0 s14, s21  }
0x85: {  	s15 =	simm.s32 @!p0 $0x80;
	s16 =	simm.s32 @!p0 $0xDF00;
	s13 =	sadd.s32 @!p0 $0x280, s13  }
0x86: {  	[tilespmem:s16], [sflag:$0x3] =	stream.indirect.gather @!p0 [hbm4b:s4+s15], $0x90, s13, s15, $0xb8;
	[tilespmem:$0x1DB00] =	vst v63  }
0x87: {  	s13 =	simm.s32 @!p1 $0x4  }
0x88: {  	_ =	swait.ge @!p1 [sflag:s13], $0x4800  }
0x89: {  	s17 =	sshra.s32 @!p1 s9, $0x2;
	[sflag:s13] =	ssyncset.done @!p1 $0x0  }
0x8a: {  	[sflag:s13] =	ssyncadd.s32 @!p1 $0xFFFFB800;
	s13 =	sadd.s32 @!p1 s17, s21  }
0x8b: {  	s18 =	simm.s32 @!p1 $0x4F00;
	s17 =	simm.s32 @!p1 $0x80;
	s13 =	sadd.s32 @!p1 $0x300, s13  }
0x8c: {  	[tilespmem:s18], [sflag:$0x1] =	stream.indirect.gather @!p1 [hbm4b:s4+s17], $0x90, s13, s17, $0xb8;
	[tilespmem:$0x1DB00] =	vst v63  }
0x8d: {  	s13 =	simm.s32 @!p0 $0x3  }
0x8e: {  	_ =	swait.ge @!p0 [sflag:s13], $0x4800  }
0x8f: {  	s14 =	sadd.s32 @!p0 s14, s23;
	[sflag:s13] =	ssyncset.done @!p0 $0x0  }
0x90: {  	[sflag:s13] =	ssyncadd.s32 @!p0 $0xFFFFB800;
	s13 =	sadd.s32 @!p0 $0x280, s14  }
0x91: {  	[spmem:s2] =	stream.indirect.scatter.add.f32 @!p0 [tilespmem:s16], [sflag:$0x6], $0x90, s13, s15, $0xb8;
	[tilespmem:$0x1DB00] =	vst v63  }
0x92: {  	p0 =	sge.u32 s12, s6  }
0x93: {  	s12 =	simm.s32 @!p0 $0x5  }
0x94: {  	s9 =	sshra.s32 @!p0 s9, $0x2;
	_ =	swait.ge @!p0 [sflag:s12], $0x4800  }
0x95: {  	s13 =	simm.s32 @!p0 $0x9700;
	s9 =	sadd.s32 @!p0 s9, s21;
	[sflag:s12] =	ssyncset.done @!p0 $0x0  }
0x96: {  	s9 =	sadd.s32 @!p0 $0x380, s9;
	[sflag:s12] =	ssyncadd.s32 @!p0 $0xFFFFB800;
	s12 =	simm.s32 @!p0 $0x80  }
0x97: {  	[tilespmem:s13], [sflag:$0x2] =	stream.indirect.gather @!p0 [hbm4b:s4+s12], $0x90, s9, s12, $0xb8;
	[tilespmem:$0x1DB00] =	vst v63  }
0x98: {  	_ =	swait.ge [sflag:s1], $0x4800  }
0x99: {  	[sflag:s1] =	ssyncset.done $0x0  }
0x9a: {  	[sflag:s1] =	ssyncadd.s32 $0xFFFFB800  }
0x9b: {  	_ =	swait.ge [sflag:s24], $0x4800  }
0x9c: {  	[sflag:s24] =	ssyncset.done $0x0  }
0x9d: {  	[sflag:s24] =	ssyncadd.s32 $0xFFFFB800  }
0x9e: {  	_ =	swait.ge [sflag:s3], $0x4800  }
0x9f: {  	[sflag:s3] =	ssyncset.done $0x0  }
0xa0: {  	[sflag:s3] =	ssyncadd.s32 $0xFFFFB800  }
0xa1: {  	[bflag:$0x0] =	sbarrier.arrive $0xFFFF  }
0xa2: {  	s17 =	rddreg [dreg:$0x8]  }
0xa3: {  	[hbm:s17], [sflag:s11] =	dma.local [spmem:s8], $0x1680  }
0xa4: {  	_ =	swait.ge [sflag:s5], $0x1680  }
0xa5: {  	s7 =	sadd.s32 $0x1, s7;
	s18 =	rddreg [dreg:$0x9]  }
0xa6: {  	p0 =	sne.s32 s7, s18  }
.Ltmp1:
0xa7: {  	_ = 	snop;
	(pc) =	sbr.rel @p0 .LBB2_1-.Ltmp1, $3  }
0xa8: {  	_ =	sdelay $0x1  }
0xa9: {  	[sflag:s5] =	ssyncset.done $0x0  }
0xaa: {  	[sflag:s5] =	ssyncadd.s32 $0xFFFFE980  }
0xab: {  	_ =	sfence.sel $0x180000  }
0xac: {  	[bflag:$0x0] =	sbarrier.arrive $0xFFFF  }
0xad: {  	_ =	strace $0x90000047  }
0xae: {  	s0 =	stileid.u32;
	[bflag:$0x2] =	sbarrier.arrive $0xFFFF  }
0xaf: {  	p0 =	sne.s32 s0, $0x0;
	s0 =	rddreg [dreg:$0x2]  }
0xb0: {  	s0 =	sadd.s32 @!p0 $0x100000, s0  }
0xb1: {  	[sflag:s0] =	ssyncadd.tile.s32 @!p0 $0x1;
	_ =	shalt  }
.Lfunc_end2:
_tile_overlayer_lowered:
.L_overlay_start_2:
0xb2: {  	(tag) =	ssettag $0x2  }
0xb3: {  	s0 =	rddreg [dreg:$0x0];
	s2 =	stileid.u32  }
0xb4: {  	s1 =	rddreg [dreg:$0x1];
	p0 =	sne.s32 s2, $0x0  }
0xb5: {  	s3 =	rddreg [dreg:$0x2];
	[bflag:$0x3] =	sbarrier.arrive $0xFFFF;
	s2 =	simm.s32 @!p0 $0x1C07  }
0xb6: {  	[timem:s3], [sflag:s2] =	dma.local @!p0 [hbm:s0], s1  }
0xb7: {  	s0 =	simm.s32 @!p0 $0x7  }
0xb8: {  	_ =	swait.ge @!p0 [sflag:s0], s1  }
0xb9: {  	s1 =	ssub.s32 @!p0 $0x0, s1;
	[sflag:s0] =	ssyncset.done @!p0 $0x0  }
0xba: {  	[sflag:s0] =	ssyncadd.s32 @!p0 s1  }
0xbb: {  	[bflag:$0x3] =	sbarrier.arrive $0xFFFF  }
0xbc: {  	_ =	shalt  }

// kernel: kernel.9.cloned.1.call-start
scs
__scs_entry_jumppad:
0x0: {  	(pc) =	sbr.rel $0x88, $3  }
0x1: {  	(tag) =	ssettag $0x0;
	lr =	simm.s32 $0x1  }
0x2: {  	[smem:$0x3F98] =	sst lr;
	_ =	strace $0xD0000000  }
0x3: {  	_ = 	snop  }
0x4: {  	_ = 	snop  }
0x5: {  	_ = 	snop  }
0x6: {  	_ = 	snop  }
0x7: {  	_ = 	snop  }
__scs_overlays_trampoline_lowered:
0x8: {  	[smem:$0x3FA7] =	sst s0  }
0x9: {  	[smem:$0x3FA8] =	sst s1  }
0xa: {  	[smem:$0x3FA9] =	sst s2  }
0xb: {  	[smem:$0x3FAA] =	sst s3  }
0xc: {  	[smem:$0x3FAB] =	sst s4  }
0xd: {  	[smem:$0x3FAC] =	sst s5  }
0xe: {  	[smem:$0x3FAD] =	sst s6  }
0xf: {  	[smem:$0x3FAE] =	sst s7  }
0x10: {  	[smem:$0x3FAF] =	sst s8  }
0x11: {  	[smem:$0x3FB0] =	sst s9;
	s0 =	simm.s32 @!p0 $0x0  }
0x12: {  	s1 =	sld [smem:$0x3F96];
	s0 =	simm.s32 @p0 $0x1  }
0x13: {  	[smem:$0x3FB1] =	sst s0;
	s0 =	simm.s32 @!p1 $0x0  }
0x14: {  	s2 =	sld [smem:$0x3F95];
	s0 =	simm.s32 @p1 $0x1  }
0x15: {  	[smem:$0x3FB2] =	sst s0;
	s0 =	simm.s32 @!p2 $0x0  }
0x16: {  	s3 =	sld [smem:$0x3FDB];
	s0 =	simm.s32 @p2 $0x1  }
0x17: {  	s4 =	simm.s32 $0x1BF5;
	[smem:$0x3FB4] =	sst s0  }
0x18: {  	s0 =	sld [smem:$0x3F97];
	_ =	swait.ge [sflag:s4], $0x0  }
0x19: {  	s7 =	sld [smem:$0x3F98]  }
0x1a: {  	s8 =	sadd.s32 $0xFFFFE003, lr  }
0x1b: {  	s9 =	sadd.s32 $0xFFFFFEF7, lr;
	s5 =	simm.s32 $0xFFFFFFFF;
	p2 =	slt.u32 s8, $0xFFFFF086  }
0x1c: {  	p1 =	slt.u32 s9, $0xF7A;
	s5 =	simm.s32 @!p2 $0x0  }
0x1d: {  	s5 =	simm.s32 @p1 $0x1;
	p0 =	seq.s32 s7, s2  }
0x1e: {  	s7 =	smul.u32 @!p0 $0xF7A, s2;
	p2 =	seq.s32 @!p0 s5, $0x0  }
0x1f: {  	s9 =	smul.u32 $0xF7A, s1;
	s8 =	simm.s32 @!p0 $0x1BF5;
	p2 =	por !p2, p0  }
0x20: {  	[sflag:s8] =	ssyncset.s32 @!p0 $0xFFFFF086;
	s6 =	sadd.s32 @!p0 s3, s7;
	s7 =	simm.s32 @!p0 $0x108  }
0x21: {  	s3 =	sadd.s32 s3, s9;
	s6 =	sadd.s32 @!p0 $0x88, s6;
	s7 =	simm.s32 @p2 $0x1082  }
0x22: {  	[simem:s7], [sflag:s8] =	dma.local @!p0 [hbm:s6], $0xF7A  }
0x23: {  	s9 =	sor.u32 $0xD0000000, s2;
	s6 =	simm.s32 $0x108;
	_ =	swait.ge @!p0 [sflag:s8], $0x0  }
0x24: {  	s3 =	sadd.s32 $0x88, s3;
	s6 =	simm.s32 @!p1 $0x1082;
	[sflag:s4] =	ssyncset.s32 $0xFFFFF086  }
0x25: {  	[simem:s6], [sflag:s4] =	dma.local [hbm:s3], $0xF7A  }
0x26: {  	[smem:$0x3F98] =	sst s1;
	(tag) =	ssettag s2;
	_ =	strace s9  }
0x27: {  	s1 =	sld [smem:$0x3FA8]  }
0x28: {  	s2 =	sld [smem:$0x3FA9]  }
0x29: {  	s4 =	sld [smem:$0x3FAB]  }
0x2a: {  	p0 =	seq.s32 s5, $0x0;
	s5 =	sld [smem:$0x3FAC]  }
0x2b: {  	s6 =	sld [smem:$0x3FAD]  }
0x2c: {  	s7 =	sld [smem:$0x3FAE]  }
0x2d: {  	s3 =	simm.s32 $0x108;
	s8 =	sld [smem:$0x3FAF]  }
0x2e: {  	s3 =	simm.s32 @!p0 $0x1082;
	s9 =	sld [smem:$0x3FB0]  }
0x2f: {  	lr =	sadd.s32 s0, s3;
	s0 =	sld [smem:$0x3FA7]  }
0x30: {  	s3 =	sld [smem:$0x3FAA]  }
0x31: {  	[smem:$0x3FB3] =	sst s10  }
0x32: {  	s10 =	sld [smem:$0x3FB1];
	_ =	sdelay $0x3  }
0x33: {  	p0 =	seq.s32 s10, $0x1;
	s10 =	sld [smem:$0x3FB3];
	_ =	sdelay $0x3  }
0x34: {  	[smem:$0x3FB3] =	sst s10  }
0x35: {  	s10 =	sld [smem:$0x3FB2];
	_ =	sdelay $0x3  }
0x36: {  	p1 =	seq.s32 s10, $0x1;
	s10 =	sld [smem:$0x3FB3];
	_ =	sdelay $0x3  }
0x37: {  	[smem:$0x3FB3] =	sst s10  }
0x38: {  	s10 =	sld [smem:$0x3FB4]  }
0x39: {  	_ = 	snop;
	(pc) =	sbr.ind lr, $3  }
0x3a: {  	_ = 	snop  }
0x3b: {  	_ = 	snop  }
0x3c: {  	p2 =	seq.s32 s10, $0x1;
	s10 =	sld [smem:$0x3FB3]  }
0x3d: {  	_ =	shalt  }
0x3e: {  	_ =	shalt  }
0x3f: {  	_ =	shalt  }
0x40: {  	_ =	shalt  }
0x41: {  	_ =	shalt  }
0x42: {  	_ =	shalt  }
0x43: {  	_ =	shalt  }
0x44: {  	_ =	shalt  }
0x45: {  	_ =	shalt  }
0x46: {  	_ =	shalt  }
0x47: {  	_ =	shalt  }
0x48: {  	_ =	shalt  }
0x49: {  	_ =	shalt  }
0x4a: {  	_ =	shalt  }
0x4b: {  	_ =	shalt  }
0x4c: {  	_ =	shalt  }
0x4d: {  	_ =	shalt  }
0x4e: {  	_ =	shalt  }
0x4f: {  	_ =	shalt  }
0x50: {  	_ =	shalt  }
0x51: {  	_ =	shalt  }
0x52: {  	_ =	shalt  }
0x53: {  	_ =	shalt  }
0x54: {  	_ =	shalt  }
0x55: {  	_ =	shalt  }
0x56: {  	_ =	shalt  }
0x57: {  	_ =	shalt  }
0x58: {  	_ =	shalt  }
0x59: {  	_ =	shalt  }
0x5a: {  	_ =	shalt  }
0x5b: {  	_ =	shalt  }
0x5c: {  	_ =	shalt  }
0x5d: {  	_ =	shalt  }
0x5e: {  	_ =	shalt  }
0x5f: {  	_ =	shalt  }
0x60: {  	_ =	shalt  }
0x61: {  	_ =	shalt  }
0x62: {  	_ =	shalt  }
0x63: {  	_ =	shalt  }
0x64: {  	_ =	shalt  }
0x65: {  	_ =	shalt  }
0x66: {  	_ =	shalt  }
0x67: {  	_ =	shalt  }
0x68: {  	_ =	shalt  }
0x69: {  	_ =	shalt  }
0x6a: {  	_ =	shalt  }
0x6b: {  	_ =	shalt  }
0x6c: {  	_ =	shalt  }
0x6d: {  	_ =	shalt  }
0x6e: {  	_ =	shalt  }
0x6f: {  	_ =	shalt  }
0x70: {  	_ =	shalt  }
0x71: {  	_ =	shalt  }
0x72: {  	_ =	shalt  }
0x73: {  	_ =	shalt  }
0x74: {  	_ =	shalt  }
0x75: {  	_ =	shalt  }
0x76: {  	_ =	shalt  }
0x77: {  	_ =	shalt  }
0x78: {  	_ =	shalt  }
0x79: {  	_ =	shalt  }
0x7a: {  	_ =	shalt  }
0x7b: {  	_ =	shalt  }
0x7c: {  	_ =	shalt  }
0x7d: {  	_ =	shalt  }
0x7e: {  	_ =	shalt  }
0x7f: {  	_ =	shalt  }
0x80: {  	_ =	shalt  }
0x81: {  	_ =	shalt  }
0x82: {  	_ =	shalt  }
0x83: {  	_ =	shalt  }
0x84: {  	_ =	shalt  }
0x85: {  	_ =	shalt  }
0x86: {  	_ =	shalt  }
0x87: {  	_ =	shalt  }
.Lfunc_end0:
.L_simem_size_0:
called_computation.1_lowered:
.L_overlay_start_0:
0x88: {  	s2 =	sld [smem:$0x3FD9]  }
0x89: {  	s3 =	sld [smem:$0x3FFE];
	_ =	sdelay $0x1  }
0x8a: {  	s1 =	srdreg.scid  }
0x8b: {  	s0 =	sand.u32 $0x1, s1  }
0x8c: {  	s17 =	sshll.u32 s0, $0xA;
	s2 =	sadd.s32 s3, s2  }
0x8d: {  	s2 =	sadd.s32 s2, s17  }
0x8e: {  	[smem:$0x3FBF] =	sst s2  }
0x8f: {  	_ = 	snop  }
0x90: {  	s2 =	sld [smem:$0x3FD0];
	(tm) =	ssettm $0x1  }
0x91: {  	s18 =	sld [smem:$0x3FFB];
	_ =	sdelay $0x3  }
0x92: {  	_ =	strace s18  }
0x93: {  	s3 =	sld [smem:$0x3FFC];
	_ =	sdelay $0x3  }
0x94: {  	_ =	strace s3  }
0x95: {  	s3 =	sld [smem:$0x3FFD];
	_ =	sdelay $0x3  }
0x96: {  	_ =	strace s3  }
0x97: {  	_ =	strace $0x8FFFFFFF  }
0x98: {  	s19 =	sld [smem:$0x3FDB];
	_ =	sdelay $0x1  }
0x99: {  	s4 =	simm.s32 $_scs_section_size  }
0x9a: {  	s5 =	simm.s32 $_size__tile_overlayer_lowered;
	s6 =	simm.s32 $_tile_overlayer_lowered  }
0x9b: {  	s22 =	simm.s32 $0x1BFF;
	s21 =	sshll.u32 s6, $0x1;
	s3 =	sadd.s32 s4, s19  }
0x9c: {  	s7 =	simm.s32 $0x0;
	s20 =	sshll.u32 s5, $0x1;
	s5 =	sadd.s32 s21, s3  }
0x9d: {  	[timem:s7], [sflag:s22] =	dma.local [hbm:s5], s20  }
0x9e: {  	_ =	swait.ge [sflag:s22], s20  }
0x9f: {  	s4 =	ssub.s32 $0x0, s20;
	[sflag:s22] =	ssyncset.done $0x0  }
0xa0: {  	[sflag:s22] =	ssyncadd.s32 s4;
	_ =	sdelay $0x1  }
0xa1: {  	s23 =	simm.s32 $0x1B8B  }
0xa2: {  	_ =	swait.ge [sflag:s23], $0x1  }
0xa3: {  	[sflag:s23] =	ssyncset.done $0x0  }
0xa4: {  	s25 =	simm.s32 $0x1B8E;
	s24 =	sld [smem:$0x3FFE];
	[sflag:s23] =	ssyncadd.s32 $0xFFFFFFFF  }
0xa5: {  	s26 =	simm.s32 $execute0_lowered;
	[smem:$0x3FD2] =	sst s25  }
0xa6: {  	s5 =	sshll.u32 s26, $0x1;
	_ =	strace $0x80000049;
	[dreg:$0x1] =	wrdreg $0xFFFFFFFF  }
0xa7: {  	s28 =	simm.s32 $_size_execute0_lowered;
	s3 =	sadd.s32 s3, s5;
	[dreg:$0x0] =	wrdreg $0x0  }
0xa8: {  	s5 =	sshll.u32 s28, $0x1;
	[dreg:$0x2] =	wrdreg s3  }
0xa9: {  	[dreg:$0x3] =	wrdreg s5  }
0xaa: {  	[dreg:$0x4] =	wrdreg $0xC0  }
0xab: {  	_ =	task [dreg:s7], $0x5FFFF  }
0xac: {  	[dreg:$0x1] =	wrdreg $0xFFFFFFFF  }
0xad: {  	[dreg:$0x0] =	wrdreg $0x60  }
0xae: {  	[dreg:$0x2] =	wrdreg s24  }
0xaf: {  	[dreg:$0x3] =	wrdreg s2  }
0xb0: {  	[dreg:$0x4] =	wrdreg $0x100000  }
0xb1: {  	[dreg:$0x5] =	wrdreg $0x9  }
0xb2: {  	_ =	task.clear_ibuf [dreg:s7], $0x6FFFF;
	_ =	strace $0x90000049  }
0xb3: {  	s29 =	simm.s32 $0x9;
	_ =	strace $0x8000004B  }
0xb4: {  	_ =	swait.ge [sflag:s29], $0x1  }
0xb5: {  	[sflag:s29] =	ssyncadd.s32 $0xFFFFFFFF  }
0xb6: {  	_ =	strace $0x9000004B  }
0xb7: {  	_ =	sfence  }
0xb8: {  	s30 =	sld [smem:$0x0];
	_ =	sdelay $0x2  }
0xb9: {  	s31 =	sshll.u32 s1, $0xD;
	s1 =	sshrl.u32 s1, $0x2  }
0xba: {  	s3 =	sand.u32 $0x4000, s31;
	s1 =	sadd.s32 s1, s30  }
0xbb: {  	s0 =	sor.u32 s3, s0;
	s1 =	sshll.u32 s1, $0x11  }
0xbc: {  	s0 =	sor.u32 s1, s0  }
0xbd: {  	s0 =	sadd.s32 $0x8F2B, s0  }
0xbe: {  	[sflag:s0] =	ssyncadd.remote.s32 $0x1  }
0xbf: {  	_ =	sfence.sel $0xFFFF  }
0xc0: {  	[dreg:$0x0] =	wrdreg $0xFFFFFFFF;
	(pc) =	sbr.abs _section_cstart, $3  }
0xc1: {  	[dreg:$0x1] =	wrdreg $0xFFFFFFFF  }
0xc2: {  	_ =	task.clear_ibuf [dreg:s7], $0x2FFFF;
	_ =	strace $0x9FFFFFFF  }
0xc3: {  	(tm) =	ssettm $0x7FFFFFFF  }
tec
execute0_lowered:
.L_overlay_start_1:
0x0: {  	(tag) =	ssettag $0x1  }
0x1: {  	s0 =	rddreg [dreg:$0x0]  }
0x2: {  	s2 =	rddreg [dreg:$0x1]  }
0x3: {  	s1 =	rddreg [dreg:$0x2];
	s3 =	simm.s32 $0x0  }
0x4: {  	s24 =	srdreg.scid;
	s12 =	stileid.u32;
	s28 =	simm.s32 $0x2800  }
0x5: {  	s29 =	simm.s32 $0x7000;
	[smem:$0x7FF] =	sst s3;
	s5 =	smul.u32 $0x5A00, s12  }
0x6: {  	s3 =	sand.u32 $0x1, s24;
	s4 =	sshll.u32 s12, $0x1;
	s14 =	smul.u32 $0x9C00, s12  }
0x7: {  	p0 =	seq.s32 s12, $0x0;
	s15 =	sshll.u32 s12, $0x6;
	s12 =	smul.u32 $0x4E, s12  }
0x8: {  	s30 =	simm.s32 $0xB800;
	s31 =	simm.s32 $0x4;
	s6 =	smul.u32 $0x5A000, s3  }
0x9: {  	s8 =	sadd.s32 $0x18200, s0;
	_ =	strace $0x8000004A;
	s16 =	smul.u32 $0x27, s3  }
0xa: {  	s7 =	sor.u32 s3, s4;
	s9 =	ssub.s32 $0x2, s3;
	s3 =	smul.u32 $0x4E00, s3  }
0xb: {  	s4 =	sadd.s32 $0x2200, s0;
	[dreg:$0x4] =	wrdreg s8;
	s25 =	smul.u32 $0x27, s7  }
0xc: {  	s7 =	smin.u32 s7, $0x2;
	s10 =	sshrl.u32 s9, $0x1;
	s13 =	sadd.s32 s5, s1  }
0xd: {  	s6 =	sadd.s32 s5, s6;
	s9 =	ssub.s32 s9, s10;
	[dreg:$0x7] =	wrdreg s13  }
0xe: {  	s10 =	sor.u32 $0x1C07, s15;
	s17 =	sadd.s32 s12, s7;
	s20 =	sshll.u32 s7, $0x9  }
0xf: {  	s6 =	sshrl.u32 s6, $0x3;
	s8 =	sadd.s32 s7, s25;
	s18 =	smax.u32 s9, $0x1  }
0x10: {  	s0 =	sadd.s32 s6, s0;
	s26 =	smin.u32 s8, $0x4BA;
	[dreg:$0xa] =	wrdreg s18  }
0x11: {  	s11 =	sshll.u32 s26, $0x4;
	s8 =	ssub.s32 s8, s26;
	s0 =	sadd.s32 $0x18E00, s0  }
0x12: {  	s2 =	sadd.s32 s2, s11;
	s8 =	sshll.u32 s8, $0x9;
	[dreg:$0x9] =	wrdreg s0  }
0x13: {  	[dreg:$0x5] =	wrdreg s2;
	s2 =	sadd.s32 $0x4E20, s2;
	s11 =	sshra.s32 s8, $0x2  }
0x14: {  	s5 =	simm.s32 $0x0;
	[dreg:$0x6] =	wrdreg s2;
	s8 =	sadd.s32 $0x80, s11  }
0x15: {  	s19 =	sadd.s32 s16, s17;
	s21 =	sadd.s32 $0x1400, s11;
	[dreg:$0x8] =	wrdreg s8  }
0x16: {  	s6 =	simm.s32 $0x28;
	s22 =	sadd.s32 $0x100, s11;
	[dreg:$0xb] =	wrdreg s21  }
0x17: {  	s6 =	simm.s32 @!p0 $0x27;
	s23 =	sadd.s32 $0x1480, s11;
	[dreg:$0xc] =	wrdreg s22  }
0x18: {  	s0 =	smin.u32 s19, $0x4BA;
	s24 =	sadd.s32 $0x180, s11;
	[dreg:$0xd] =	wrdreg s23  }
0x19: {  	s0 =	sshll.u32 s0, $0x9;
	s25 =	sadd.s32 $0x1500, s11;
	[dreg:$0xe] =	wrdreg s24  }
0x1a: {  	s2 =	sadd.s32 s3, s14;
	s26 =	sadd.s32 $0x200, s11;
	[dreg:$0xf] =	wrdreg s25  }
0x1b: {  	s3 =	simm.s32 $0x7;
	s2 =	sadd.s32 s20, s2;
	[dreg:$0x10] =	wrdreg s26  }
0x1c: {  	s24 =	simm.s32 $0x1;
	s25 =	simm.s32 $0x2;
	s0 =	ssub.s32 s2, s0  }
0x1d: {  	s26 =	simm.s32 $0x80;
	s23 =	simm.s32 $0x6;
	s20 =	sshra.s32 s0, $0x2  }
0x1e: {  	s2 =	simm.s32 $0x5;
	s0 =	simm.s32 $0x3;
	s22 =	sadd.s32 $0x1400, s20  }
.LBB2_1:
0x1f: {  	s8 =	rddreg [dreg:$0x5]  }
0x20: {  	s21 =	rddreg [dreg:$0x6]  }
0x21: {  	s7 =	simm.s32 $0x0;
	s12 =	rddreg [dreg:$0x7]  }
0x22: {  	[tilespmem:s7], [sflag:$0x1] =	stream.linear.gather [hbm4b:s8+s7], $0x1400, $0x38;
	[tilespmem:$0x15A00] =	vst v63  }
0x23: {  	s9 =	simm.s32 $0x1400;
	s13 =	rddreg [dreg:$0x4];
	s8 =	sshrl.u32 s12, $0x3  }
0x24: {  	[tilespmem:s9], [sflag:$0x2] =	stream.linear.gather [hbm4b:s21+s7], $0x1400, $0x38;
	[tilespmem:$0x15A00] =	vst v63  }
0x25: {  	[spmem:s8], [sflag:s10] =	dma.local [hbm:s13], $0xB40  }
0x26: {  	_ =	swait.ge [sflag:s3], $0xB40  }
0x27: {  	[sflag:s3] =	ssyncset.done $0x0  }
0x28: {  	[sflag:s3] =	ssyncadd.s32 $0xFFFFF4C0  }
0x29: {  	_ =	swait.ge [sflag:s24], $0x1400  }
0x2a: {  	[sflag:s24] =	ssyncset.done $0x0  }
0x2b: {  	[sflag:s24] =	ssyncadd.s32 $0xFFFFEC00  }
0x2c: {  	_ =	swait.ge [sflag:s25], $0x1400  }
0x2d: {  	[sflag:s25] =	ssyncset.done $0x0  }
0x2e: {  	[sflag:s25] =	ssyncadd.s32 $0xFFFFEC00  }
0x2f: {  	[bflag:$0x0] =	sbarrier.arrive $0xFFFF  }
0x30: {  	[tilespmem:s28], [sflag:$0x1] =	stream.indirect.gather [hbm4b:s4+s26], $0x90, s11, s26, $0xb8;
	[tilespmem:$0x15A00] =	vst v63  }
0x31: {  	s14 =	rddreg [dreg:$0x8]  }
0x32: {  	[tilespmem:s29], [sflag:$0x2] =	stream.indirect.gather [hbm4b:s4+s26], $0x90, s14, s26, $0xb8;
	[tilespmem:$0x15A00] =	vst v63  }
0x33: {  	_ =	swait.ge [sflag:s24], $0x4800  }
0x34: {  	[sflag:s24] =	ssyncset.done $0x0  }
0x35: {  	s15 =	rddreg [dreg:$0xb];
	[sflag:s24] =	ssyncadd.s32 $0xFFFFB800  }
0x36: {  	[spmem:s1] =	stream.indirect.scatter.add.f32 [tilespmem:s28], [sflag:$0x4], $0x90, s15, s26, $0xb8;
	[tilespmem:$0x15A00] =	vst v63  }
0x37: {  	s16 =	rddreg [dreg:$0xc]  }
0x38: {  	[tilespmem:s30], [sflag:$0x3] =	stream.indirect.gather [hbm4b:s4+s26], $0x90, s16, s26, $0xb8;
	[tilespmem:$0x15A00] =	vst v63  }
0x39: {  	_ =	swait.ge [sflag:s25], $0x4800  }
0x3a: {  	[sflag:s25] =	ssyncset.done $0x0  }
0x3b: {  	s17 =	rddreg [dreg:$0xd];
	[sflag:s25] =	ssyncadd.s32 $0xFFFFB800  }
0x3c: {  	[spmem:s1] =	stream.indirect.scatter.add.f32 [tilespmem:s29], [sflag:$0x5], $0x90, s17, s26, $0xb8;
	[tilespmem:$0x15A00] =	vst v63  }
0x3d: {  	_ =	swait.ge [sflag:s31], $0x4800  }
0x3e: {  	[sflag:s31] =	ssyncset.done $0x0  }
0x3f: {  	s18 =	rddreg [dreg:$0xe];
	[sflag:s31] =	ssyncadd.s32 $0xFFFFB800  }
0x40: {  	[tilespmem:s28], [sflag:$0x1] =	stream.indirect.gather [hbm4b:s4+s26], $0x90, s18, s26, $0xb8;
	[tilespmem:$0x15A00] =	vst v63  }
0x41: {  	_ =	swait.ge [sflag:s0], $0x4800  }
0x42: {  	[sflag:s0] =	ssyncset.done $0x0  }
0x43: {  	s19 =	rddreg [dreg:$0xf];
	[sflag:s0] =	ssyncadd.s32 $0xFFFFB800  }
0x44: {  	[spmem:s1] =	stream.indirect.scatter.add.f32 [tilespmem:s30], [sflag:$0x6], $0x90, s19, s26, $0xb8;
	[tilespmem:$0x15A00] =	vst v63  }
0x45: {  	_ =	swait.ge [sflag:s2], $0x4800  }
0x46: {  	p1 =	sle.u32 s6, $0x3;
	[sflag:s2] =	ssyncset.done $0x0  }
0x47: {  	s7 =	simm.s32 @!p1 $0x1;
	s21 =	rddreg [dreg:$0x10];
	[sflag:s2] =	ssyncadd.s32 $0xFFFFB800  }
0x48: {  	[tilespmem:s29], [sflag:$0x2] =	stream.indirect.gather [hbm4b:s4+s26], $0x90, s21, s26, $0xb8;
	[tilespmem:$0x15A00] =	vst v63  }
0x49: {  	p0 =	sle.u32 s6, $0x5;
	s12 =	sadd.s32 @!p1 $0x0, s22;
	_ =	swait.ge @!p1 [sflag:s7], $0x4800  }
0x4a: {  	s12 =	sadd.s32 @!p1 $0x180, s12;
	s9 =	simm.s32 @!p1 $0x2800;
	[sflag:s7] =	ssyncset.done @!p1 $0x0  }
0x4b: {  	s13 =	simm.s32 @!p0 $0x6;
	[sflag:s7] =	ssyncadd.s32 @!p1 $0xFFFFB800;
	s7 =	simm.s32 @!p1 $0x80  }
0x4c: {  	[spmem:s1] =	stream.indirect.scatter.add.f32 @!p1 [tilespmem:s9], [sflag:$0x4], $0x90, s12, s7, $0xb8;
	[tilespmem:$0x15A00] =	vst v63  }
0x4d: {  	p2 =	sle.u32 s6, $0x4;
	s7 =	simm.s32 @!p0 $0xB800;
	_ =	swait.ge @!p0 [sflag:s13], $0x4800  }
0x4e: {  	s9 =	sadd.s32 @!p0 $0x0, s20;
	s12 =	simm.s32 @!p0 $0x80;
	[sflag:s13] =	ssyncset.done @!p0 $0x0  }
0x4f: {  	s9 =	sadd.s32 @!p0 $0x280, s9;
	[sflag:s13] =	ssyncadd.s32 @!p0 $0xFFFFB800;
	s13 =	simm.s32 @!p2 $0x2  }
0x50: {  	[tilespmem:s7], [sflag:$0x3] =	stream.indirect.gather @!p0 [hbm4b:s4+s12], $0x90, s9, s12, $0xb8;
	[tilespmem:$0x15A00] =	vst v63  }
0x51: {  	s14 =	simm.s32 @!p2 $0x7000;
	s15 =	simm.s32 @!p2 $0x80;
	_ =	swait.ge @!p2 [sflag:s13], $0x4800  }
0x52: {  	p1 =	sle.u32 s6, $0x6;
	s9 =	sadd.s32 @!p2 $0x0, s22;
	[sflag:s13] =	ssyncset.done @!p2 $0x0  }
0x53: {  	s9 =	sadd.s32 @!p2 $0x200, s9;
	[sflag:s13] =	ssyncadd.s32 @!p2 $0xFFFFB800;
	s13 =	simm.s32 @!p1 $0x4  }
0x54: {  	[spmem:s1] =	stream.indirect.scatter.add.f32 @!p2 [tilespmem:s14], [sflag:$0x5], $0x90, s9, s15, $0xb8;
	[tilespmem:$0x15A00] =	vst v63  }
0x55: {  	s9 =	simm.s32 @!p1 $0x2800;
	_ =	swait.ge @!p1 [sflag:s13], $0x4800  }
0x56: {  	s14 =	sadd.s32 @!p1 $0x0, s20;
	s15 =	simm.s32 @!p1 $0x80;
	[sflag:s13] =	ssyncset.done @!p1 $0x0  }
0x57: {  	[sflag:s13] =	ssyncadd.s32 @!p1 $0xFFFFB800;
	s13 =	sadd.s32 @!p1 $0x300, s14;
	s14 =	simm.s32 @!p0 $0x3  }
0x58: {  	[tilespmem:s9], [sflag:$0x1] =	stream.indirect.gather @!p1 [hbm4b:s4+s15], $0x90, s13, s15, $0xb8;
	[tilespmem:$0x15A00] =	vst v63  }
0x59: {  	_ =	swait.ge @!p0 [sflag:s14], $0x4800  }
0x5a: {  	s9 =	simm.s32 $0x600;
	s13 =	sadd.s32 @!p0 $0x0, s22;
	[sflag:s14] =	ssyncset.done @!p0 $0x0  }
0x5b: {  	p1 =	sle.u32 s6, $0x7;
	s13 =	sadd.s32 @!p0 $0x280, s13;
	[sflag:s14] =	ssyncadd.s32 @!p0 $0xFFFFB800  }
0x5c: {  	[spmem:s1] =	stream.indirect.scatter.add.f32 @!p0 [tilespmem:s7], [sflag:$0x6], $0x90, s13, s12, $0xb8;
	[tilespmem:$0x15A00] =	vst v63  }
0x5d: {  	s15 =	simm.s32 @!p1 $0x7000;
	s14 =	simm.s32 @!p1 $0x80;
	s13 =	simm.s32 @!p1 $0x5  }
0x5e: {  	s7 =	simm.s32 $0xA;
	s12 =	sadd.s32 @!p1 $0x0, s20;
	_ =	swait.ge @!p1 [sflag:s13], $0x4800  }
.LBB2_2:
0x5f: {  	[sflag:s13] =	ssyncset.done @!p1 $0x0  }
0x60: {  	s16 =	sadd.s32 @!p1 $0x380, s12;
	s12 =	smov.u32 s9;
	s9 =	sadd.s32 $0x600, s9  }
0x61: {  	s17 =	sadd.s32 $0xFFFFFFFC, s7;
	s18 =	sadd.s32 $0xFFFFFFFE, s7;
	[sflag:s13] =	ssyncadd.s32 @!p1 $0xFFFFB800  }
0x62: {  	[tilespmem:s15], [sflag:$0x2] =	stream.indirect.gather @!p1 [hbm4b:s4+s14], $0x90, s16, s14, $0xb8;
	[tilespmem:$0x15A00] =	vst v63  }
0x63: {  	p2 =	sge.u32 s17, s6;
	s13 =	sadd.s32 $0xFFFFFFFD, s7;
	s14 =	sadd.s32 $0xFFFFFFFF, s7  }
0x64: {  	s15 =	simm.s32 @!p2 $0x1;
	s16 =	sshra.s32 @!p2 s12, $0x2;
	s17 =	simm.s32 @!p2 $0x2800  }
0x65: {  	s16 =	sadd.s32 @!p2 s16, s22;
	p1 =	sge.u32 s14, s6;
	_ =	swait.ge @!p2 [sflag:s15], $0x4800  }
0x66: {  	s14 =	sadd.s32 @!p2 $0x180, s16;
	s16 =	simm.s32 @!p1 $0x2800;
	[sflag:s15] =	ssyncset.done @!p2 $0x0  }
0x67: {  	p0 =	sge.u32 s18, s6;
	[sflag:s15] =	ssyncadd.s32 @!p2 $0xFFFFB800;
	s15 =	simm.s32 @!p2 $0x80  }
0x68: {  	s18 =	simm.s32 @!p0 $0x6;
	s19 =	sshra.s32 @!p0 s12, $0x2;
	s21 =	simm.s32 @!p0 $0xB800  }
0x69: {  	[spmem:s1] =	stream.indirect.scatter.add.f32 @!p2 [tilespmem:s17], [sflag:$0x4], $0x90, s14, s15, $0xb8;
	[tilespmem:$0x15A00] =	vst v63  }
0x6a: {  	s14 =	sadd.s32 @!p0 s19, s20;
	p2 =	sge.u32 s13, s6;
	_ =	swait.ge @!p0 [sflag:s18], $0x4800  }
0x6b: {  	s13 =	sadd.s32 @!p0 $0x280, s14;
	s14 =	simm.s32 @!p0 $0x80;
	[sflag:s18] =	ssyncset.done @!p0 $0x0  }
0x6c: {  	s15 =	simm.s32 @!p2 $0x2;
	s17 =	sshra.s32 @!p2 s12, $0x2;
	[sflag:s18] =	ssyncadd.s32 @!p0 $0xFFFFB800  }
0x6d: {  	[tilespmem:s21], [sflag:$0x3] =	stream.indirect.gather @!p0 [hbm4b:s4+s14], $0x90, s13, s14, $0xb8;
	[tilespmem:$0x15A00] =	vst v63  }
0x6e: {  	s13 =	sadd.s32 @!p2 s17, s22;
	s17 =	simm.s32 @!p2 $0x7000;
	_ =	swait.ge @!p2 [sflag:s15], $0x4800  }
0x6f: {  	s18 =	simm.s32 @!p2 $0x80;
	s13 =	sadd.s32 @!p2 $0x200, s13;
	[sflag:s15] =	ssyncset.done @!p2 $0x0  }
0x70: {  	s19 =	sadd.s32 @!p0 s19, s22;
	[sflag:s15] =	ssyncadd.s32 @!p2 $0xFFFFB800;
	s15 =	simm.s32 @!p1 $0x4  }
0x71: {  	[spmem:s1] =	stream.indirect.scatter.add.f32 @!p2 [tilespmem:s17], [sflag:$0x5], $0x90, s13, s18, $0xb8;
	[tilespmem:$0x15A00] =	vst v63  }
0x72: {  	s13 =	sshra.s32 @!p1 s12, $0x2;
	s17 =	sadd.s32 @!p0 $0x280, s19;
	_ =	swait.ge @!p1 [sflag:s15], $0x4800  }
0x73: {  	s18 =	simm.s32 @!p1 $0x80;
	s13 =	sadd.s32 @!p1 s13, s20;
	[sflag:s15] =	ssyncset.done @!p1 $0x0  }
0x74: {  	s13 =	sadd.s32 @!p1 $0x300, s13;
	[sflag:s15] =	ssyncadd.s32 @!p1 $0xFFFFB800;
	s15 =	simm.s32 @!p0 $0x3  }
0x75: {  	[tilespmem:s16], [sflag:$0x1] =	stream.indirect.gather @!p1 [hbm4b:s4+s18], $0x90, s13, s18, $0xb8;
	[tilespmem:$0x15A00] =	vst v63  }
0x76: {  	p2 =	sne.s32 s9, $0x4E00;
	_ =	swait.ge @!p0 [sflag:s15], $0x4800  }
.Ltmp0:
0x77: {  	[sflag:s15] =	ssyncset.done @!p0 $0x0;
	(pc) =	sbr.rel @p2 .LBB2_2-.Ltmp0, $4  }
0x78: {  	p1 =	sge.u32 s7, s6;
	s7 =	sadd.s32 $0x3, s7;
	[sflag:s15] =	ssyncadd.s32 @!p0 $0xFFFFB800  }
0x79: {  	[spmem:s1] =	stream.indirect.scatter.add.f32 @!p0 [tilespmem:s21], [sflag:$0x6], $0x90, s17, s14, $0xb8;
	[tilespmem:$0x15A00] =	vst v63  }
0x7a: {  	s13 =	simm.s32 @!p1 $0x5;
	s12 =	sshra.s32 @!p1 s12, $0x2;
	s14 =	simm.s32 @!p1 $0x80  }
0x7b: {  	s12 =	sadd.s32 @!p1 s12, s20;
	s15 =	simm.s32 @!p1 $0x7000;
	_ =	swait.ge @!p1 [sflag:s13], $0x4800  }
0x7c: {  	[sflag:s13] =	ssyncset.done @!p1 $0x0  }
0x7d: {  	s7 =	sadd.s32 @!p1 $0x380, s12;
	[sflag:s13] =	ssyncadd.s32 @!p1 $0xFFFFB800  }
0x7e: {  	[tilespmem:s15], [sflag:$0x2] =	stream.indirect.gather @!p1 [hbm4b:s4+s14], $0x90, s7, s14, $0xb8;
	[tilespmem:$0x15A00] =	vst v63  }
0x7f: {  	_ =	swait.ge [sflag:s31], $0x4800  }
0x80: {  	[sflag:s31] =	ssyncset.done $0x0  }
0x81: {  	[sflag:s31] =	ssyncadd.s32 $0xFFFFB800  }
0x82: {  	_ =	swait.ge [sflag:s2], $0x4800  }
0x83: {  	[sflag:s2] =	ssyncset.done $0x0  }
0x84: {  	[sflag:s2] =	ssyncadd.s32 $0xFFFFB800  }
0x85: {  	_ =	swait.ge [sflag:s23], $0x4800  }
0x86: {  	[sflag:s23] =	ssyncset.done $0x0  }
0x87: {  	[sflag:s23] =	ssyncadd.s32 $0xFFFFB800  }
0x88: {  	[bflag:$0x0] =	sbarrier.arrive $0xFFFF  }
0x89: {  	s19 =	rddreg [dreg:$0x9]  }
0x8a: {  	[hbm:s19], [sflag:s10] =	dma.local [spmem:s8], $0xB40  }
0x8b: {  	_ =	swait.ge [sflag:s3], $0xB40  }
0x8c: {  	s5 =	sadd.s32 $0x1, s5;
	s21 =	rddreg [dreg:$0xa]  }
0x8d: {  	p0 =	sne.s32 s5, s21  }
.Ltmp1:
0x8e: {  	_ = 	snop;
	(pc) =	sbr.rel @p0 .LBB2_1-.Ltmp1, $3  }
0x8f: {  	_ =	sdelay $0x1  }
0x90: {  	[sflag:s3] =	ssyncset.done $0x0  }
0x91: {  	[sflag:s3] =	ssyncadd.s32 $0xFFFFF4C0  }
0x92: {  	_ =	sfence.sel $0x180000  }
0x93: {  	[bflag:$0x0] =	sbarrier.arrive $0xFFFF  }
0x94: {  	_ =	strace $0x9000004A  }
0x95: {  	s0 =	stileid.u32;
	[bflag:$0x2] =	sbarrier.arrive $0xFFFF  }
0x96: {  	p0 =	sne.s32 s0, $0x0;
	s0 =	rddreg [dreg:$0x3]  }
0x97: {  	s0 =	sadd.s32 @!p0 $0x100000, s0  }
0x98: {  	[sflag:s0] =	ssyncadd.tile.s32 @!p0 $0x1;
	_ =	shalt  }
.Lfunc_end2:
_tile_overlayer_lowered:
.L_overlay_start_2:
0x99: {  	(tag) =	ssettag $0x2  }
0x9a: {  	s0 =	rddreg [dreg:$0x0];
	s2 =	stileid.u32  }
0x9b: {  	s1 =	rddreg [dreg:$0x1];
	p0 =	sne.s32 s2, $0x0  }
0x9c: {  	s3 =	rddreg [dreg:$0x2];
	[bflag:$0x3] =	sbarrier.arrive $0xFFFF;
	s2 =	simm.s32 @!p0 $0x1C07  }
0x9d: {  	[timem:s3], [sflag:s2] =	dma.local @!p0 [hbm:s0], s1  }
0x9e: {  	s0 =	simm.s32 @!p0 $0x7  }
0x9f: {  	_ =	swait.ge @!p0 [sflag:s0], s1  }
0xa0: {  	s1 =	ssub.s32 @!p0 $0x0, s1;
	[sflag:s0] =	ssyncset.done @!p0 $0x0  }
0xa1: {  	[sflag:s0] =	ssyncadd.s32 @!p0 s1  }
0xa2: {  	[bflag:$0x3] =	sbarrier.arrive $0xFFFF  }
0xa3: {  	_ =	shalt  }

</sc_bundles>
